<compile_context>
chip_gen: v7x
topology: tpu7x:2x2x1
jax: 0.10.2.dev20260603
libtpu: 0.0.44.dev20260713+nightly
codegen_flags: <defaults>
</compile_context>

<pallas_src>
import functools

import jax
import jax.numpy as jnp
from jax import lax
from jax.experimental import pallas as pl
from jax.experimental.pallas import tpu as pltpu
from jax.experimental.pallas import tpu_sc as plsc

N = 10000
D = 128
E = 80000
R = 4
NB = 2

_TILES = 16
_CORES = 2
_REL_PER_CORE = R // _CORES
CH = 128
EPT = E // _TILES
NCH = -(-EPT // CH)
SLOTS = NCH * CH
TAIL = (EPT // 16) * 16
_NBUF = 4
ACC_ROWS = 10240
STRIPE = ACC_ROWS // _TILES
BN = 2000


def _sc_segment_sums(x_bf, e0, e1, e2, e3, zeros_stripe):
    mesh = plsc.VectorSubcoreMesh(core_axis_name="c", subcore_axis_name="s")

    @functools.partial(
        pl.kernel,
        mesh=mesh,
        out_type=jax.ShapeDtypeStruct((R * _TILES, STRIPE, D), jnp.bfloat16),
        compiler_params=pltpu.CompilerParams(use_tc_tiling_on_sc=False),
        scratch_types=[
            pltpu.VMEM((SLOTS,), jnp.int32),
            pltpu.VMEM((SLOTS,), jnp.int32),
            pltpu.VMEM((_NBUF, CH, D), jnp.bfloat16),
            pltpu.VMEM_SHARED((ACC_ROWS, D), jnp.bfloat16),
            pltpu.VMEM_SHARED((N, D), jnp.bfloat16),
        ]
        + [pltpu.SemaphoreType.DMA] * (2 * _NBUF),
    )
    def body(x_hbm, e0_hbm, e1_hbm, e2_hbm, e3_hbm, zero_hbm, out_hbm, src_v, dst_v, rows_v, acc, xs, *sems):
        e_refs = (e0_hbm, e1_hbm, e2_hbm, e3_hbm)
        gsem = sems[:_NBUF]
        ssem = sems[_NBUF:]
        c = lax.axis_index("c")
        s = lax.axis_index("s")

        def src_idx(i):
            return src_v.at[pl.ds(i * CH, CH)]

        def dst_idx(i):
            return dst_v.at[pl.ds(i * CH, CH)]

        def wait_gather(i, b):
            pltpu.make_async_copy(xs.at[src_idx(i)], rows_v.at[b], gsem[b]).wait()

        def wait_scatter(i, b):
            pltpu.make_async_copy(rows_v.at[b], acc.at[dst_idx(i)], ssem[b]).wait()

        pltpu.sync_copy(
            x_hbm.at[pl.ds(s * (N // _TILES), N // _TILES)],
            xs.at[pl.ds(s * (N // _TILES), N // _TILES)],
        )

        for j in range(_REL_PER_CORE):
            rel = c * _REL_PER_CORE + j
            blk = rel * _TILES + s
            pltpu.sync_copy(zero_hbm, acc.at[pl.ds(s * STRIPE, STRIPE)])
            for q in range((SLOTS - TAIL) // 16):
                src_v[pl.ds(TAIL + 16 * q, 16)] = jnp.zeros((16,), jnp.int32)
                dst_v[pl.ds(TAIL + 16 * q, 16)] = jnp.full((16,), N, jnp.int32)
            for cc in range(_CORES):
                @pl.when(c == cc)
                def _stage_idx():
                    e_hbm = e_refs[cc * _REL_PER_CORE + j]
                    pltpu.sync_copy(e_hbm.at[0].at[pl.ds(s * EPT, EPT)], src_v.at[pl.ds(0, EPT)])
                    pltpu.sync_copy(e_hbm.at[1].at[pl.ds(s * EPT, EPT)], dst_v.at[pl.ds(0, EPT)])
            plsc.subcore_barrier()

            for b in range(_NBUF - 1):
                pltpu.async_copy(xs.at[src_idx(b)], rows_v.at[b], gsem[b])

            def step(k, carry):
                for b in range(_NBUF):
                    i = _NBUF * k + b
                    wait_gather(i, b)
                    pltpu.async_copy(rows_v.at[b], acc.at[dst_idx(i)], ssem[b], add=True)
                    b2 = (b + _NBUF - 1) % _NBUF

                    @pl.when(i + _NBUF - 1 < NCH)
                    def _issue():
                        if b == 0:
                            @pl.when(k > 0)
                            def _w():
                                wait_scatter(i - 1, b2)
                        else:
                            wait_scatter(i - 1, b2)
                        pltpu.async_copy(xs.at[src_idx(i + _NBUF - 1)], rows_v.at[b2], gsem[b2])
                return carry

            lax.fori_loop(0, NCH // _NBUF, step, 0)
            for b in range(_NBUF):
                wait_scatter(NCH - _NBUF + b, b)
            plsc.subcore_barrier()
            pltpu.sync_copy(acc.at[pl.ds(s * STRIPE, STRIPE)], out_hbm.at[blk])

    return body(x_bf, e0, e1, e2, e3, zeros_stripe)


def _combine_body(g_ref, x_ref, att_ref, basis_ref, root_ref, o_ref):
    acc = jnp.dot(x_ref[...], root_ref[...], preferred_element_type=jnp.float32)
    gf = g_ref[...].astype(jnp.float32)
    g0, g1, g2, g3 = gf[0], gf[1], gf[2], gf[3]
    m0 = att_ref[0, 0] * g0 + att_ref[1, 0] * g1 + att_ref[2, 0] * g2 + att_ref[3, 0] * g3
    m1 = att_ref[0, 1] * g0 + att_ref[1, 1] * g1 + att_ref[2, 1] * g2 + att_ref[3, 1] * g3
    acc = acc + 0.25 * (
        jnp.dot(m0, basis_ref[0], preferred_element_type=jnp.float32)
        + jnp.dot(m1, basis_ref[1], preferred_element_type=jnp.float32)
    )
    o_ref[...] = acc


def _combine(g, x, att, basis, root):
    return pl.pallas_call(
        _combine_body,
        grid=(N // BN,),
        in_specs=[
            pl.BlockSpec((R, BN, D), lambda i: (0, i, 0)),
            pl.BlockSpec((BN, D), lambda i: (i, 0)),
            pl.BlockSpec(memory_space=pltpu.SMEM),
            pl.BlockSpec((NB, D, D), lambda i: (0, 0, 0)),
            pl.BlockSpec((D, D), lambda i: (0, 0)),
        ],
        out_specs=pl.BlockSpec((BN, D), lambda i: (i, 0)),
        out_shape=jax.ShapeDtypeStruct((N, D), jnp.float32),
    )(g, x, att, basis, root)


def kernel(x, edge_index_0, edge_index_1, edge_index_2, edge_index_3, dest, att, basis, root):
    del dest
    zeros_stripe = jnp.zeros((STRIPE, D), jnp.bfloat16)

    g = _sc_segment_sums(
        x.astype(jnp.bfloat16),
        edge_index_0, edge_index_1, edge_index_2, edge_index_3,
        zeros_stripe,
    )
    g = g.reshape(R, ACC_ROWS, D)
    return _combine(g, x, att, basis, root)

# --- scband reference (transcript-rebuilt; emitter-appended) ---
"""Pipeline reference for scband-m-rgcn-15367392985222 (READ-ONLY COPY).

The authoritative reference and input builder live on the scoring server;
editing this copy changes nothing except your own understanding.
"""

import jax, jax.numpy as jnp
import numpy as np

N = 10000
D_IN = 128
D_OUT = 128
NUM_BONDS = 4
NUM_BASES = 2
E_PER_REL = 80000


def setup_inputs(seed: int = 0) -> dict:
    key = jax.random.key(seed)
    ks = jax.random.split(key, 10)
    x = jax.random.normal(ks[0], (N, D_IN), dtype=jnp.float32)
    edge_index_0 = jax.random.randint(ks[1], (2, E_PER_REL), 0, N, dtype=jnp.int32)
    edge_index_1 = jax.random.randint(ks[2], (2, E_PER_REL), 0, N, dtype=jnp.int32)
    edge_index_2 = jax.random.randint(ks[3], (2, E_PER_REL), 0, N, dtype=jnp.int32)
    edge_index_3 = jax.random.randint(ks[4], (2, E_PER_REL), 0, N, dtype=jnp.int32)
    dest = jnp.arange(N, dtype=jnp.int32)
    # learned parameters, initialized per M_RGCN.reset_parameters (after_relu=False)
    att = jax.random.normal(ks[5], (NUM_BONDS, NUM_BASES), dtype=jnp.float32) * (1.0 / np.sqrt(NUM_BASES))
    basis = jax.random.normal(ks[6], (NUM_BASES, D_IN, D_OUT), dtype=jnp.float32) * (1.0 / np.sqrt(D_IN))
    root = jax.random.normal(ks[7], (D_IN, D_OUT), dtype=jnp.float32) * (1.0 / np.sqrt(D_IN))
    return {"x": x, "edge_index_0": edge_index_0, "edge_index_1": edge_index_1,
            "edge_index_2": edge_index_2, "edge_index_3": edge_index_3,
            "dest": dest, "att": att, "basis": basis, "root": root}


def reference(x, edge_index_0, edge_index_1, edge_index_2, edge_index_3, dest, att, basis, root):
    # w = att @ basis (basis decomposition), per-relation weight matrices
    w = jnp.matmul(att, basis.reshape(NUM_BASES, -1)).reshape(NUM_BONDS, D_IN, D_OUT)
    edges = [edge_index_0, edge_index_1, edge_index_2, edge_index_3]
    outs = []
    for r in range(NUM_BONDS):
        src = edges[r][0]
        dst = edges[r][1]
        # message: x_j @ w_r  (computed as (x @ w_r)[src], mathematically identical)
        h = jnp.matmul(x, w[r])
        msg = jnp.take(h, src, axis=0)
        # per-relation aggregation: scatter-add over destination nodes
        out_r = jax.ops.segment_sum(msg, dst, num_segments=N)
        outs.append(out_r)
    # HeteroConv aggr='mean' across relations
    averaged = jnp.mean(jnp.stack(outs, axis=0), axis=0)
    # root/self transform (bias=False)
    out = averaged + jnp.matmul(x, root)
    return out

if __name__ == "__main__":
    import jax
    _d = setup_inputs()
    print(jax.jit(kernel)(*tuple(_d.values())))

</pallas_src>

<mosaic_0001>
#map = affine_map<(d0, d1) -> (0, 0)>
#map1 = affine_map<(d0, d1) -> (0, 0, 0)>
module attributes {stable_mosaic.version = 14 : i64} {
  func.func @body(%arg0: i32, %arg1: i32, %arg2: memref<10000x128xbf16, #tpu.memory_space<hbm>>, %arg3: memref<2x80000xi32, #tpu.memory_space<hbm>>, %arg4: memref<2x80000xi32, #tpu.memory_space<hbm>>, %arg5: memref<2x80000xi32, #tpu.memory_space<hbm>>, %arg6: memref<2x80000xi32, #tpu.memory_space<hbm>>, %arg7: memref<640x128xbf16, #tpu.memory_space<hbm>>, %arg8: memref<64x640x128xbf16, #tpu.memory_space<hbm>>, %arg9: memref<5120xi32, #tpu.memory_space<vmem>>, %arg10: memref<5120xi32, #tpu.memory_space<vmem>>, %arg11: memref<4x128x128xbf16, #tpu.memory_space<vmem>>, %arg12: memref<10240x128xbf16, #tpu.memory_space<vmem_shared>>, %arg13: memref<10000x128xbf16, #tpu.memory_space<vmem_shared>>, %arg14: memref<!tpu.dma_semaphore, #tpu.memory_space<semaphore_mem>>, %arg15: memref<!tpu.dma_semaphore, #tpu.memory_space<semaphore_mem>>, %arg16: memref<!tpu.dma_semaphore, #tpu.memory_space<semaphore_mem>>, %arg17: memref<!tpu.dma_semaphore, #tpu.memory_space<semaphore_mem>>, %arg18: memref<!tpu.dma_semaphore, #tpu.memory_space<semaphore_mem>>, %arg19: memref<!tpu.dma_semaphore, #tpu.memory_space<semaphore_mem>>, %arg20: memref<!tpu.dma_semaphore, #tpu.memory_space<semaphore_mem>>, %arg21: memref<!tpu.dma_semaphore, #tpu.memory_space<semaphore_mem>>) attributes {dimension_semantics = [#tpu.dimension_semantics<core_parallel>, #tpu.dimension_semantics<subcore_parallel>], iteration_bounds = array<i64: 2, 16>, scalar_prefetch = 0 : i64, scratch_operands = 13 : i64, tpu.core_type = #tpu.core_type<sc_vector_subcore>, window_params = [{transform_indices = #map}, {transform_indices = #map}, {transform_indices = #map}, {transform_indices = #map}, {transform_indices = #map}, {transform_indices = #map}, {transform_indices = #map1}]} {
    %mul3A = arith.constant 625 : i32
    %mul3A_0 = arith.muli %arg1, %mul3A : i32
    %mul3A_1 = arith.constant 625 : i32
    %mul3A_2 = arith.muli %arg1, %mul3A_1 : i32
    "tpu.region"() ({
      %run_scoped3A = tpu.sem_alloc : memref<!tpu.dma_semaphore, #tpu.memory_space<semaphore_mem>>
      %dma_start3A_383 = arith.constant 0 : i32
      %dma_start3A_384 = tpu.memref_slice %arg13[%mul3A_2, %dma_start3A_383] : memref<10000x128xbf16, #tpu.memory_space<vmem_shared>> -> memref<625x128xbf16, #tpu.memory_space<vmem_shared>>
      %dma_start3A_385 = arith.constant 0 : i32
      %dma_start3A_386 = tpu.memref_slice %arg2[%mul3A_0, %dma_start3A_385] : memref<10000x128xbf16, #tpu.memory_space<hbm>> -> memref<625x128xbf16, #tpu.memory_space<hbm>>
      tpu.enqueue_dma source(%dma_start3A_386 : memref<625x128xbf16, #tpu.memory_space<hbm>>) target(%dma_start3A_384 : memref<625x128xbf16, #tpu.memory_space<vmem_shared>>) target_semaphore(%run_scoped3A : memref<!tpu.dma_semaphore, #tpu.memory_space<semaphore_mem>>)
      %dma_wait3A_387 = arith.constant 0 : i32
      %dma_wait3A_388 = tpu.memref_slice %arg13[%mul3A_2, %dma_wait3A_387] : memref<10000x128xbf16, #tpu.memory_space<vmem_shared>> -> memref<625x128xbf16, #tpu.memory_space<vmem_shared>>
      %dma_wait3A_389 = arith.constant 0 : i32
      %dma_wait3A_390 = tpu.memref_slice %arg2[%mul3A_0, %dma_wait3A_389] : memref<10000x128xbf16, #tpu.memory_space<hbm>> -> memref<625x128xbf16, #tpu.memory_space<hbm>>
      tpu.wait_dma2 semaphore(%run_scoped3A : memref<!tpu.dma_semaphore, #tpu.memory_space<semaphore_mem>>) src(%dma_wait3A_390 : memref<625x128xbf16, #tpu.memory_space<hbm>>) dst(%dma_wait3A_388 : memref<625x128xbf16, #tpu.memory_space<vmem_shared>>)
      tpu.yield
    }) : () -> ()
    %mul3A_3 = arith.constant 2 : i32
    %mul3A_4 = arith.muli %arg0, %mul3A_3 : i32
    %add3A = arith.constant 0 : i32
    %add3A_5 = arith.addi %mul3A_4, %add3A : i32
    %mul3A_6 = arith.constant 16 : i32
    %mul3A_7 = arith.muli %add3A_5, %mul3A_6 : i32
    %add3A_8 = arith.addi %mul3A_7, %arg1 : i32
    %mul3A_9 = arith.constant 640 : i32
    %mul3A_10 = arith.muli %arg1, %mul3A_9 : i32
    "tpu.region"() ({
      %run_scoped3A = tpu.sem_alloc : memref<!tpu.dma_semaphore, #tpu.memory_space<semaphore_mem>>
      %dma_start3A_383 = arith.constant 0 : i32
      %dma_start3A_384 = tpu.memref_slice %arg12[%mul3A_10, %dma_start3A_383] : memref<10240x128xbf16, #tpu.memory_space<vmem_shared>> -> memref<640x128xbf16, #tpu.memory_space<vmem_shared>>
      tpu.enqueue_dma source(%arg7 : memref<640x128xbf16, #tpu.memory_space<hbm>>) target(%dma_start3A_384 : memref<640x128xbf16, #tpu.memory_space<vmem_shared>>) target_semaphore(%run_scoped3A : memref<!tpu.dma_semaphore, #tpu.memory_space<semaphore_mem>>)
      %dma_wait3A_385 = arith.constant 0 : i32
      %dma_wait3A_386 = tpu.memref_slice %arg12[%mul3A_10, %dma_wait3A_385] : memref<10240x128xbf16, #tpu.memory_space<vmem_shared>> -> memref<640x128xbf16, #tpu.memory_space<vmem_shared>>
      tpu.wait_dma2 semaphore(%run_scoped3A : memref<!tpu.dma_semaphore, #tpu.memory_space<semaphore_mem>>) src(%arg7 : memref<640x128xbf16, #tpu.memory_space<hbm>>) dst(%dma_wait3A_386 : memref<640x128xbf16, #tpu.memory_space<vmem_shared>>)
      tpu.yield
    }) : () -> ()
    %broadcast_in_dim3A = arith.constant 0 : i32
    %broadcast_in_dim3A_11 = vector.broadcast %broadcast_in_dim3A : i32 to vector<16xi32>
    %swap3A = arith.constant 4992 : index
    %swap3A_12 = tpu.vector_load %arg9[%swap3A] {strides = array<i32>} : memref<5120xi32, #tpu.memory_space<vmem>>, vector<16xi32>,
    %swap3A_13 = vector.shape_cast %swap3A_12 : vector<16xi32> to vector<16xi32>
    %swap3A_14 = vector.shape_cast %broadcast_in_dim3A_11 : vector<16xi32> to vector<16xi32>
    tpu.vector_store %arg9[%swap3A], %swap3A_14 {strides = array<i32>} : memref<5120xi32, #tpu.memory_space<vmem>>, vector<16xi32>,
    %broadcast_in_dim3A_15 = arith.constant 10000 : i32
    %broadcast_in_dim3A_16 = vector.broadcast %broadcast_in_dim3A_15 : i32 to vector<16xi32>
    %swap3A_17 = arith.constant 4992 : index
    %swap3A_18 = tpu.vector_load %arg10[%swap3A_17] {strides = array<i32>} : memref<5120xi32, #tpu.memory_space<vmem>>, vector<16xi32>,
    %swap3A_19 = vector.shape_cast %swap3A_18 : vector<16xi32> to vector<16xi32>
    %swap3A_20 = vector.shape_cast %broadcast_in_dim3A_16 : vector<16xi32> to vector<16xi32>
    tpu.vector_store %arg10[%swap3A_17], %swap3A_20 {strides = array<i32>} : memref<5120xi32, #tpu.memory_space<vmem>>, vector<16xi32>,
    %broadcast_in_dim3A_21 = arith.constant 0 : i32
    %broadcast_in_dim3A_22 = vector.broadcast %broadcast_in_dim3A_21 : i32 to vector<16xi32>
    %swap3A_23 = arith.constant 5008 : index
    %swap3A_24 = tpu.vector_load %arg9[%swap3A_23] {strides = array<i32>} : memref<5120xi32, #tpu.memory_space<vmem>>, vector<16xi32>,
    %swap3A_25 = vector.shape_cast %swap3A_24 : vector<16xi32> to vector<16xi32>
    %swap3A_26 = vector.shape_cast %broadcast_in_dim3A_22 : vector<16xi32> to vector<16xi32>
    tpu.vector_store %arg9[%swap3A_23], %swap3A_26 {strides = array<i32>} : memref<5120xi32, #tpu.memory_space<vmem>>, vector<16xi32>,
    %broadcast_in_dim3A_27 = arith.constant 10000 : i32
    %broadcast_in_dim3A_28 = vector.broadcast %broadcast_in_dim3A_27 : i32 to vector<16xi32>
    %swap3A_29 = arith.constant 5008 : index
    %swap3A_30 = tpu.vector_load %arg10[%swap3A_29] {strides = array<i32>} : memref<5120xi32, #tpu.memory_space<vmem>>, vector<16xi32>,
    %swap3A_31 = vector.shape_cast %swap3A_30 : vector<16xi32> to vector<16xi32>
    %swap3A_32 = vector.shape_cast %broadcast_in_dim3A_28 : vector<16xi32> to vector<16xi32>
    tpu.vector_store %arg10[%swap3A_29], %swap3A_32 {strides = array<i32>} : memref<5120xi32, #tpu.memory_space<vmem>>, vector<16xi32>,
    %broadcast_in_dim3A_33 = arith.constant 0 : i32
    %broadcast_in_dim3A_34 = vector.broadcast %broadcast_in_dim3A_33 : i32 to vector<16xi32>
    %swap3A_35 = arith.constant 5024 : index
    %swap3A_36 = tpu.vector_load %arg9[%swap3A_35] {strides = array<i32>} : memref<5120xi32, #tpu.memory_space<vmem>>, vector<16xi32>,
    %swap3A_37 = vector.shape_cast %swap3A_36 : vector<16xi32> to vector<16xi32>
    %swap3A_38 = vector.shape_cast %broadcast_in_dim3A_34 : vector<16xi32> to vector<16xi32>
    tpu.vector_store %arg9[%swap3A_35], %swap3A_38 {strides = array<i32>} : memref<5120xi32, #tpu.memory_space<vmem>>, vector<16xi32>,
    %broadcast_in_dim3A_39 = arith.constant 10000 : i32
    %broadcast_in_dim3A_40 = vector.broadcast %broadcast_in_dim3A_39 : i32 to vector<16xi32>
    %swap3A_41 = arith.constant 5024 : index
    %swap3A_42 = tpu.vector_load %arg10[%swap3A_41] {strides = array<i32>} : memref<5120xi32, #tpu.memory_space<vmem>>, vector<16xi32>,
    %swap3A_43 = vector.shape_cast %swap3A_42 : vector<16xi32> to vector<16xi32>
    %swap3A_44 = vector.shape_cast %broadcast_in_dim3A_40 : vector<16xi32> to vector<16xi32>
    tpu.vector_store %arg10[%swap3A_41], %swap3A_44 {strides = array<i32>} : memref<5120xi32, #tpu.memory_space<vmem>>, vector<16xi32>,
    %broadcast_in_dim3A_45 = arith.constant 0 : i32
    %broadcast_in_dim3A_46 = vector.broadcast %broadcast_in_dim3A_45 : i32 to vector<16xi32>
    %swap3A_47 = arith.constant 5040 : index
    %swap3A_48 = tpu.vector_load %arg9[%swap3A_47] {strides = array<i32>} : memref<5120xi32, #tpu.memory_space<vmem>>, vector<16xi32>,
    %swap3A_49 = vector.shape_cast %swap3A_48 : vector<16xi32> to vector<16xi32>
    %swap3A_50 = vector.shape_cast %broadcast_in_dim3A_46 : vector<16xi32> to vector<16xi32>
    tpu.vector_store %arg9[%swap3A_47], %swap3A_50 {strides = array<i32>} : memref<5120xi32, #tpu.memory_space<vmem>>, vector<16xi32>,
    %broadcast_in_dim3A_51 = arith.constant 10000 : i32
    %broadcast_in_dim3A_52 = vector.broadcast %broadcast_in_dim3A_51 : i32 to vector<16xi32>
    %swap3A_53 = arith.constant 5040 : index
    %swap3A_54 = tpu.vector_load %arg10[%swap3A_53] {strides = array<i32>} : memref<5120xi32, #tpu.memory_space<vmem>>, vector<16xi32>,
    %swap3A_55 = vector.shape_cast %swap3A_54 : vector<16xi32> to vector<16xi32>
    %swap3A_56 = vector.shape_cast %broadcast_in_dim3A_52 : vector<16xi32> to vector<16xi32>
    tpu.vector_store %arg10[%swap3A_53], %swap3A_56 {strides = array<i32>} : memref<5120xi32, #tpu.memory_space<vmem>>, vector<16xi32>,
    %broadcast_in_dim3A_57 = arith.constant 0 : i32
    %broadcast_in_dim3A_58 = vector.broadcast %broadcast_in_dim3A_57 : i32 to vector<16xi32>
    %swap3A_59 = arith.constant 5056 : index
    %swap3A_60 = tpu.vector_load %arg9[%swap3A_59] {strides = array<i32>} : memref<5120xi32, #tpu.memory_space<vmem>>, vector<16xi32>,
    %swap3A_61 = vector.shape_cast %swap3A_60 : vector<16xi32> to vector<16xi32>
    %swap3A_62 = vector.shape_cast %broadcast_in_dim3A_58 : vector<16xi32> to vector<16xi32>
    tpu.vector_store %arg9[%swap3A_59], %swap3A_62 {strides = array<i32>} : memref<5120xi32, #tpu.memory_space<vmem>>, vector<16xi32>,
    %broadcast_in_dim3A_63 = arith.constant 10000 : i32
    %broadcast_in_dim3A_64 = vector.broadcast %broadcast_in_dim3A_63 : i32 to vector<16xi32>
    %swap3A_65 = arith.constant 5056 : index
    %swap3A_66 = tpu.vector_load %arg10[%swap3A_65] {strides = array<i32>} : memref<5120xi32, #tpu.memory_space<vmem>>, vector<16xi32>,
    %swap3A_67 = vector.shape_cast %swap3A_66 : vector<16xi32> to vector<16xi32>
    %swap3A_68 = vector.shape_cast %broadcast_in_dim3A_64 : vector<16xi32> to vector<16xi32>
    tpu.vector_store %arg10[%swap3A_65], %swap3A_68 {strides = array<i32>} : memref<5120xi32, #tpu.memory_space<vmem>>, vector<16xi32>,
    %broadcast_in_dim3A_69 = arith.constant 0 : i32
    %broadcast_in_dim3A_70 = vector.broadcast %broadcast_in_dim3A_69 : i32 to vector<16xi32>
    %swap3A_71 = arith.constant 5072 : index
    %swap3A_72 = tpu.vector_load %arg9[%swap3A_71] {strides = array<i32>} : memref<5120xi32, #tpu.memory_space<vmem>>, vector<16xi32>,
    %swap3A_73 = vector.shape_cast %swap3A_72 : vector<16xi32> to vector<16xi32>
    %swap3A_74 = vector.shape_cast %broadcast_in_dim3A_70 : vector<16xi32> to vector<16xi32>
    tpu.vector_store %arg9[%swap3A_71], %swap3A_74 {strides = array<i32>} : memref<5120xi32, #tpu.memory_space<vmem>>, vector<16xi32>,
    %broadcast_in_dim3A_75 = arith.constant 10000 : i32
    %broadcast_in_dim3A_76 = vector.broadcast %broadcast_in_dim3A_75 : i32 to vector<16xi32>
    %swap3A_77 = arith.constant 5072 : index
    %swap3A_78 = tpu.vector_load %arg10[%swap3A_77] {strides = array<i32>} : memref<5120xi32, #tpu.memory_space<vmem>>, vector<16xi32>,
    %swap3A_79 = vector.shape_cast %swap3A_78 : vector<16xi32> to vector<16xi32>
    %swap3A_80 = vector.shape_cast %broadcast_in_dim3A_76 : vector<16xi32> to vector<16xi32>
    tpu.vector_store %arg10[%swap3A_77], %swap3A_80 {strides = array<i32>} : memref<5120xi32, #tpu.memory_space<vmem>>, vector<16xi32>,
    %broadcast_in_dim3A_81 = arith.constant 0 : i32
    %broadcast_in_dim3A_82 = vector.broadcast %broadcast_in_dim3A_81 : i32 to vector<16xi32>
    %swap3A_83 = arith.constant 5088 : index
    %swap3A_84 = tpu.vector_load %arg9[%swap3A_83] {strides = array<i32>} : memref<5120xi32, #tpu.memory_space<vmem>>, vector<16xi32>,
    %swap3A_85 = vector.shape_cast %swap3A_84 : vector<16xi32> to vector<16xi32>
    %swap3A_86 = vector.shape_cast %broadcast_in_dim3A_82 : vector<16xi32> to vector<16xi32>
    tpu.vector_store %arg9[%swap3A_83], %swap3A_86 {strides = array<i32>} : memref<5120xi32, #tpu.memory_space<vmem>>, vector<16xi32>,
    %broadcast_in_dim3A_87 = arith.constant 10000 : i32
    %broadcast_in_dim3A_88 = vector.broadcast %broadcast_in_dim3A_87 : i32 to vector<16xi32>
    %swap3A_89 = arith.constant 5088 : index
    %swap3A_90 = tpu.vector_load %arg10[%swap3A_89] {strides = array<i32>} : memref<5120xi32, #tpu.memory_space<vmem>>, vector<16xi32>,
    %swap3A_91 = vector.shape_cast %swap3A_90 : vector<16xi32> to vector<16xi32>
    %swap3A_92 = vector.shape_cast %broadcast_in_dim3A_88 : vector<16xi32> to vector<16xi32>
    tpu.vector_store %arg10[%swap3A_89], %swap3A_92 {strides = array<i32>} : memref<5120xi32, #tpu.memory_space<vmem>>, vector<16xi32>,
    %broadcast_in_dim3A_93 = arith.constant 0 : i32
    %broadcast_in_dim3A_94 = vector.broadcast %broadcast_in_dim3A_93 : i32 to vector<16xi32>
    %swap3A_95 = arith.constant 5104 : index
    %swap3A_96 = tpu.vector_load %arg9[%swap3A_95] {strides = array<i32>} : memref<5120xi32, #tpu.memory_space<vmem>>, vector<16xi32>,
    %swap3A_97 = vector.shape_cast %swap3A_96 : vector<16xi32> to vector<16xi32>
    %swap3A_98 = vector.shape_cast %broadcast_in_dim3A_94 : vector<16xi32> to vector<16xi32>
    tpu.vector_store %arg9[%swap3A_95], %swap3A_98 {strides = array<i32>} : memref<5120xi32, #tpu.memory_space<vmem>>, vector<16xi32>,
    %broadcast_in_dim3A_99 = arith.constant 10000 : i32
    %broadcast_in_dim3A_100 = vector.broadcast %broadcast_in_dim3A_99 : i32 to vector<16xi32>
    %swap3A_101 = arith.constant 5104 : index
    %swap3A_102 = tpu.vector_load %arg10[%swap3A_101] {strides = array<i32>} : memref<5120xi32, #tpu.memory_space<vmem>>, vector<16xi32>,
    %swap3A_103 = vector.shape_cast %swap3A_102 : vector<16xi32> to vector<16xi32>
    %swap3A_104 = vector.shape_cast %broadcast_in_dim3A_100 : vector<16xi32> to vector<16xi32>
    tpu.vector_store %arg10[%swap3A_101], %swap3A_104 {strides = array<i32>} : memref<5120xi32, #tpu.memory_space<vmem>>, vector<16xi32>,
    %eq3A = arith.constant 0 : i32
    %eq3A_105 = arith.cmpi eq, %arg0, %eq3A : i32
    %convert_element_type3A = arith.extui %eq3A_105 : i1 to i32
    %cond3A = arith.constant 0 : i32
    %cond3A_106 = arith.cmpi ne, %convert_element_type3A, %cond3A : i32
    scf.if %cond3A_106 {
      %mul3A_383 = arith.constant 5000 : i32
      %mul3A_384 = arith.muli %arg1, %mul3A_383 : i32
      %run_scoped3A = arith.constant 0 : i32
      "tpu.region"() ({
        %run_scoped3A_388 = tpu.sem_alloc : memref<!tpu.dma_semaphore, #tpu.memory_space<semaphore_mem>>
        %dma_start3A_389 = arith.constant 0 : i32
        %dma_start3A_390 = tpu.memref_slice %arg9[%dma_start3A_389] : memref<5120xi32, #tpu.memory_space<vmem>> -> memref<5000xi32, #tpu.memory_space<vmem>>
        %dma_start3A_391 = arith.constant 0 : i32
        %dma_start3A_392 = tpu.memref_slice %arg3[%run_scoped3A, %dma_start3A_391] : memref<2x80000xi32, #tpu.memory_space<hbm>> -> memref<1x80000xi32, #tpu.memory_space<hbm>>
        %dma_start3A_393 = tpu.memref_squeeze %dma_start3A_392 : memref<1x80000xi32, #tpu.memory_space<hbm>> -> memref<80000xi32, #tpu.memory_space<hbm>>
        %dma_start3A_394 = tpu.memref_slice %dma_start3A_393[%mul3A_384] : memref<80000xi32, #tpu.memory_space<hbm>> -> memref<5000xi32, #tpu.memory_space<hbm>>
        %dma_start3A_395 = arith.constant 0 : i32
        %dma_start3A_396 = tpu.memref_slice %arg9[%dma_start3A_395] : memref<5120xi32, #tpu.memory_space<vmem>> -> memref<5000xi32, #tpu.memory_space<vmem>>
        %dma_start3A_397 = arith.constant 0 : i32
        %dma_start3A_398 = tpu.memref_slice %arg3[%run_scoped3A, %dma_start3A_397] : memref<2x80000xi32, #tpu.memory_space<hbm>> -> memref<1x80000xi32, #tpu.memory_space<hbm>>
        %dma_start3A_399 = tpu.memref_squeeze %dma_start3A_398 : memref<1x80000xi32, #tpu.memory_space<hbm>> -> memref<80000xi32, #tpu.memory_space<hbm>>
        %dma_start3A_400 = tpu.memref_slice %dma_start3A_399[%mul3A_384] : memref<80000xi32, #tpu.memory_space<hbm>> -> memref<5000xi32, #tpu.memory_space<hbm>>
        tpu.enqueue_dma source(%dma_start3A_400 : memref<5000xi32, #tpu.memory_space<hbm>>) target(%dma_start3A_396 : memref<5000xi32, #tpu.memory_space<vmem>>) target_semaphore(%run_scoped3A_388 : memref<!tpu.dma_semaphore, #tpu.memory_space<semaphore_mem>>)
        %dma_wait3A_401 = arith.constant 0 : i32
        %dma_wait3A_402 = tpu.memref_slice %arg9[%dma_wait3A_401] : memref<5120xi32, #tpu.memory_space<vmem>> -> memref<5000xi32, #tpu.memory_space<vmem>>
        %dma_wait3A_403 = arith.constant 0 : i32
        %dma_wait3A_404 = tpu.memref_slice %arg3[%run_scoped3A, %dma_wait3A_403] : memref<2x80000xi32, #tpu.memory_space<hbm>> -> memref<1x80000xi32, #tpu.memory_space<hbm>>
        %dma_wait3A_405 = tpu.memref_squeeze %dma_wait3A_404 : memref<1x80000xi32, #tpu.memory_space<hbm>> -> memref<80000xi32, #tpu.memory_space<hbm>>
        %dma_wait3A_406 = tpu.memref_slice %dma_wait3A_405[%mul3A_384] : memref<80000xi32, #tpu.memory_space<hbm>> -> memref<5000xi32, #tpu.memory_space<hbm>>
        %dma_wait3A_407 = arith.constant 0 : i32
        %dma_wait3A_408 = tpu.memref_slice %arg9[%dma_wait3A_407] : memref<5120xi32, #tpu.memory_space<vmem>> -> memref<5000xi32, #tpu.memory_space<vmem>>
        %dma_wait3A_409 = arith.constant 0 : i32
        %dma_wait3A_410 = tpu.memref_slice %arg3[%run_scoped3A, %dma_wait3A_409] : memref<2x80000xi32, #tpu.memory_space<hbm>> -> memref<1x80000xi32, #tpu.memory_space<hbm>>
        %dma_wait3A_411 = tpu.memref_squeeze %dma_wait3A_410 : memref<1x80000xi32, #tpu.memory_space<hbm>> -> memref<80000xi32, #tpu.memory_space<hbm>>
        %dma_wait3A_412 = tpu.memref_slice %dma_wait3A_411[%mul3A_384] : memref<80000xi32, #tpu.memory_space<hbm>> -> memref<5000xi32, #tpu.memory_space<hbm>>
        tpu.wait_dma2 semaphore(%run_scoped3A_388 : memref<!tpu.dma_semaphore, #tpu.memory_space<semaphore_mem>>) src(%dma_wait3A_412 : memref<5000xi32, #tpu.memory_space<hbm>>) dst(%dma_wait3A_408 : memref<5000xi32, #tpu.memory_space<vmem>>)
        tpu.yield
      }) : () -> ()
      %mul3A_385 = arith.constant 5000 : i32
      %mul3A_386 = arith.muli %arg1, %mul3A_385 : i32
      %run_scoped3A_387 = arith.constant 1 : i32
      "tpu.region"() ({
        %run_scoped3A_388 = tpu.sem_alloc : memref<!tpu.dma_semaphore, #tpu.memory_space<semaphore_mem>>
        %dma_start3A_389 = arith.constant 0 : i32
        %dma_start3A_390 = tpu.memref_slice %arg10[%dma_start3A_389] : memref<5120xi32, #tpu.memory_space<vmem>> -> memref<5000xi32, #tpu.memory_space<vmem>>
        %dma_start3A_391 = arith.constant 0 : i32
        %dma_start3A_392 = tpu.memref_slice %arg3[%run_scoped3A_387, %dma_start3A_391] : memref<2x80000xi32, #tpu.memory_space<hbm>> -> memref<1x80000xi32, #tpu.memory_space<hbm>>
        %dma_start3A_393 = tpu.memref_squeeze %dma_start3A_392 : memref<1x80000xi32, #tpu.memory_space<hbm>> -> memref<80000xi32, #tpu.memory_space<hbm>>
        %dma_start3A_394 = tpu.memref_slice %dma_start3A_393[%mul3A_386] : memref<80000xi32, #tpu.memory_space<hbm>> -> memref<5000xi32, #tpu.memory_space<hbm>>
        %dma_start3A_395 = arith.constant 0 : i32
        %dma_start3A_396 = tpu.memref_slice %arg10[%dma_start3A_395] : memref<5120xi32, #tpu.memory_space<vmem>> -> memref<5000xi32, #tpu.memory_space<vmem>>
        %dma_start3A_397 = arith.constant 0 : i32
        %dma_start3A_398 = tpu.memref_slice %arg3[%run_scoped3A_387, %dma_start3A_397] : memref<2x80000xi32, #tpu.memory_space<hbm>> -> memref<1x80000xi32, #tpu.memory_space<hbm>>
        %dma_start3A_399 = tpu.memref_squeeze %dma_start3A_398 : memref<1x80000xi32, #tpu.memory_space<hbm>> -> memref<80000xi32, #tpu.memory_space<hbm>>
        %dma_start3A_400 = tpu.memref_slice %dma_start3A_399[%mul3A_386] : memref<80000xi32, #tpu.memory_space<hbm>> -> memref<5000xi32, #tpu.memory_space<hbm>>
        tpu.enqueue_dma source(%dma_start3A_400 : memref<5000xi32, #tpu.memory_space<hbm>>) target(%dma_start3A_396 : memref<5000xi32, #tpu.memory_space<vmem>>) target_semaphore(%run_scoped3A_388 : memref<!tpu.dma_semaphore, #tpu.memory_space<semaphore_mem>>)
        %dma_wait3A_401 = arith.constant 0 : i32
        %dma_wait3A_402 = tpu.memref_slice %arg10[%dma_wait3A_401] : memref<5120xi32, #tpu.memory_space<vmem>> -> memref<5000xi32, #tpu.memory_space<vmem>>
        %dma_wait3A_403 = arith.constant 0 : i32
        %dma_wait3A_404 = tpu.memref_slice %arg3[%run_scoped3A_387, %dma_wait3A_403] : memref<2x80000xi32, #tpu.memory_space<hbm>> -> memref<1x80000xi32, #tpu.memory_space<hbm>>
        %dma_wait3A_405 = tpu.memref_squeeze %dma_wait3A_404 : memref<1x80000xi32, #tpu.memory_space<hbm>> -> memref<80000xi32, #tpu.memory_space<hbm>>
        %dma_wait3A_406 = tpu.memref_slice %dma_wait3A_405[%mul3A_386] : memref<80000xi32, #tpu.memory_space<hbm>> -> memref<5000xi32, #tpu.memory_space<hbm>>
        %dma_wait3A_407 = arith.constant 0 : i32
        %dma_wait3A_408 = tpu.memref_slice %arg10[%dma_wait3A_407] : memref<5120xi32, #tpu.memory_space<vmem>> -> memref<5000xi32, #tpu.memory_space<vmem>>
        %dma_wait3A_409 = arith.constant 0 : i32
        %dma_wait3A_410 = tpu.memref_slice %arg3[%run_scoped3A_387, %dma_wait3A_409] : memref<2x80000xi32, #tpu.memory_space<hbm>> -> memref<1x80000xi32, #tpu.memory_space<hbm>>
        %dma_wait3A_411 = tpu.memref_squeeze %dma_wait3A_410 : memref<1x80000xi32, #tpu.memory_space<hbm>> -> memref<80000xi32, #tpu.memory_space<hbm>>
        %dma_wait3A_412 = tpu.memref_slice %dma_wait3A_411[%mul3A_386] : memref<80000xi32, #tpu.memory_space<hbm>> -> memref<5000xi32, #tpu.memory_space<hbm>>
        tpu.wait_dma2 semaphore(%run_scoped3A_388 : memref<!tpu.dma_semaphore, #tpu.memory_space<semaphore_mem>>) src(%dma_wait3A_412 : memref<5000xi32, #tpu.memory_space<hbm>>) dst(%dma_wait3A_408 : memref<5000xi32, #tpu.memory_space<vmem>>)
        tpu.yield
      }) : () -> ()
    } else {
    }
    %eq3A_107 = arith.constant 1 : i32
    %eq3A_108 = arith.cmpi eq, %arg0, %eq3A_107 : i32
    %convert_element_type3A_109 = arith.extui %eq3A_108 : i1 to i32
    %cond3A_110 = arith.constant 0 : i32
    %cond3A_111 = arith.cmpi ne, %convert_element_type3A_109, %cond3A_110 : i32
    scf.if %cond3A_111 {
      %mul3A_383 = arith.constant 5000 : i32
      %mul3A_384 = arith.muli %arg1, %mul3A_383 : i32
      %run_scoped3A = arith.constant 0 : i32
      "tpu.region"() ({
        %run_scoped3A_388 = tpu.sem_alloc : memref<!tpu.dma_semaphore, #tpu.memory_space<semaphore_mem>>
        %dma_start3A_389 = arith.constant 0 : i32
        %dma_start3A_390 = tpu.memref_slice %arg9[%dma_start3A_389] : memref<5120xi32, #tpu.memory_space<vmem>> -> memref<5000xi32, #tpu.memory_space<vmem>>
        %dma_start3A_391 = arith.constant 0 : i32
        %dma_start3A_392 = tpu.memref_slice %arg5[%run_scoped3A, %dma_start3A_391] : memref<2x80000xi32, #tpu.memory_space<hbm>> -> memref<1x80000xi32, #tpu.memory_space<hbm>>
        %dma_start3A_393 = tpu.memref_squeeze %dma_start3A_392 : memref<1x80000xi32, #tpu.memory_space<hbm>> -> memref<80000xi32, #tpu.memory_space<hbm>>
        %dma_start3A_394 = tpu.memref_slice %dma_start3A_393[%mul3A_384] : memref<80000xi32, #tpu.memory_space<hbm>> -> memref<5000xi32, #tpu.memory_space<hbm>>
        %dma_start3A_395 = arith.constant 0 : i32
        %dma_start3A_396 = tpu.memref_slice %arg9[%dma_start3A_395] : memref<5120xi32, #tpu.memory_space<vmem>> -> memref<5000xi32, #tpu.memory_space<vmem>>
        %dma_start3A_397 = arith.constant 0 : i32
        %dma_start3A_398 = tpu.memref_slice %arg5[%run_scoped3A, %dma_start3A_397] : memref<2x80000xi32, #tpu.memory_space<hbm>> -> memref<1x80000xi32, #tpu.memory_space<hbm>>
        %dma_start3A_399 = tpu.memref_squeeze %dma_start3A_398 : memref<1x80000xi32, #tpu.memory_space<hbm>> -> memref<80000xi32, #tpu.memory_space<hbm>>
        %dma_start3A_400 = tpu.memref_slice %dma_start3A_399[%mul3A_384] : memref<80000xi32, #tpu.memory_space<hbm>> -> memref<5000xi32, #tpu.memory_space<hbm>>
        tpu.enqueue_dma source(%dma_start3A_400 : memref<5000xi32, #tpu.memory_space<hbm>>) target(%dma_start3A_396 : memref<5000xi32, #tpu.memory_space<vmem>>) target_semaphore(%run_scoped3A_388 : memref<!tpu.dma_semaphore, #tpu.memory_space<semaphore_mem>>)
        %dma_wait3A_401 = arith.constant 0 : i32
        %dma_wait3A_402 = tpu.memref_slice %arg9[%dma_wait3A_401] : memref<5120xi32, #tpu.memory_space<vmem>> -> memref<5000xi32, #tpu.memory_space<vmem>>
        %dma_wait3A_403 = arith.constant 0 : i32
        %dma_wait3A_404 = tpu.memref_slice %arg5[%run_scoped3A, %dma_wait3A_403] : memref<2x80000xi32, #tpu.memory_space<hbm>> -> memref<1x80000xi32, #tpu.memory_space<hbm>>
        %dma_wait3A_405 = tpu.memref_squeeze %dma_wait3A_404 : memref<1x80000xi32, #tpu.memory_space<hbm>> -> memref<80000xi32, #tpu.memory_space<hbm>>
        %dma_wait3A_406 = tpu.memref_slice %dma_wait3A_405[%mul3A_384] : memref<80000xi32, #tpu.memory_space<hbm>> -> memref<5000xi32, #tpu.memory_space<hbm>>
        %dma_wait3A_407 = arith.constant 0 : i32
        %dma_wait3A_408 = tpu.memref_slice %arg9[%dma_wait3A_407] : memref<5120xi32, #tpu.memory_space<vmem>> -> memref<5000xi32, #tpu.memory_space<vmem>>
        %dma_wait3A_409 = arith.constant 0 : i32
        %dma_wait3A_410 = tpu.memref_slice %arg5[%run_scoped3A, %dma_wait3A_409] : memref<2x80000xi32, #tpu.memory_space<hbm>> -> memref<1x80000xi32, #tpu.memory_space<hbm>>
        %dma_wait3A_411 = tpu.memref_squeeze %dma_wait3A_410 : memref<1x80000xi32, #tpu.memory_space<hbm>> -> memref<80000xi32, #tpu.memory_space<hbm>>
        %dma_wait3A_412 = tpu.memref_slice %dma_wait3A_411[%mul3A_384] : memref<80000xi32, #tpu.memory_space<hbm>> -> memref<5000xi32, #tpu.memory_space<hbm>>
        tpu.wait_dma2 semaphore(%run_scoped3A_388 : memref<!tpu.dma_semaphore, #tpu.memory_space<semaphore_mem>>) src(%dma_wait3A_412 : memref<5000xi32, #tpu.memory_space<hbm>>) dst(%dma_wait3A_408 : memref<5000xi32, #tpu.memory_space<vmem>>)
        tpu.yield
      }) : () -> ()
      %mul3A_385 = arith.constant 5000 : i32
      %mul3A_386 = arith.muli %arg1, %mul3A_385 : i32
      %run_scoped3A_387 = arith.constant 1 : i32
      "tpu.region"() ({
        %run_scoped3A_388 = tpu.sem_alloc : memref<!tpu.dma_semaphore, #tpu.memory_space<semaphore_mem>>
        %dma_start3A_389 = arith.constant 0 : i32
        %dma_start3A_390 = tpu.memref_slice %arg10[%dma_start3A_389] : memref<5120xi32, #tpu.memory_space<vmem>> -> memref<5000xi32, #tpu.memory_space<vmem>>
        %dma_start3A_391 = arith.constant 0 : i32
        %dma_start3A_392 = tpu.memref_slice %arg5[%run_scoped3A_387, %dma_start3A_391] : memref<2x80000xi32, #tpu.memory_space<hbm>> -> memref<1x80000xi32, #tpu.memory_space<hbm>>
        %dma_start3A_393 = tpu.memref_squeeze %dma_start3A_392 : memref<1x80000xi32, #tpu.memory_space<hbm>> -> memref<80000xi32, #tpu.memory_space<hbm>>
        %dma_start3A_394 = tpu.memref_slice %dma_start3A_393[%mul3A_386] : memref<80000xi32, #tpu.memory_space<hbm>> -> memref<5000xi32, #tpu.memory_space<hbm>>
        %dma_start3A_395 = arith.constant 0 : i32
        %dma_start3A_396 = tpu.memref_slice %arg10[%dma_start3A_395] : memref<5120xi32, #tpu.memory_space<vmem>> -> memref<5000xi32, #tpu.memory_space<vmem>>
        %dma_start3A_397 = arith.constant 0 : i32
        %dma_start3A_398 = tpu.memref_slice %arg5[%run_scoped3A_387, %dma_start3A_397] : memref<2x80000xi32, #tpu.memory_space<hbm>> -> memref<1x80000xi32, #tpu.memory_space<hbm>>
        %dma_start3A_399 = tpu.memref_squeeze %dma_start3A_398 : memref<1x80000xi32, #tpu.memory_space<hbm>> -> memref<80000xi32, #tpu.memory_space<hbm>>
        %dma_start3A_400 = tpu.memref_slice %dma_start3A_399[%mul3A_386] : memref<80000xi32, #tpu.memory_space<hbm>> -> memref<5000xi32, #tpu.memory_space<hbm>>
        tpu.enqueue_dma source(%dma_start3A_400 : memref<5000xi32, #tpu.memory_space<hbm>>) target(%dma_start3A_396 : memref<5000xi32, #tpu.memory_space<vmem>>) target_semaphore(%run_scoped3A_388 : memref<!tpu.dma_semaphore, #tpu.memory_space<semaphore_mem>>)
        %dma_wait3A_401 = arith.constant 0 : i32
        %dma_wait3A_402 = tpu.memref_slice %arg10[%dma_wait3A_401] : memref<5120xi32, #tpu.memory_space<vmem>> -> memref<5000xi32, #tpu.memory_space<vmem>>
        %dma_wait3A_403 = arith.constant 0 : i32
        %dma_wait3A_404 = tpu.memref_slice %arg5[%run_scoped3A_387, %dma_wait3A_403] : memref<2x80000xi32, #tpu.memory_space<hbm>> -> memref<1x80000xi32, #tpu.memory_space<hbm>>
        %dma_wait3A_405 = tpu.memref_squeeze %dma_wait3A_404 : memref<1x80000xi32, #tpu.memory_space<hbm>> -> memref<80000xi32, #tpu.memory_space<hbm>>
        %dma_wait3A_406 = tpu.memref_slice %dma_wait3A_405[%mul3A_386] : memref<80000xi32, #tpu.memory_space<hbm>> -> memref<5000xi32, #tpu.memory_space<hbm>>
        %dma_wait3A_407 = arith.constant 0 : i32
        %dma_wait3A_408 = tpu.memref_slice %arg10[%dma_wait3A_407] : memref<5120xi32, #tpu.memory_space<vmem>> -> memref<5000xi32, #tpu.memory_space<vmem>>
        %dma_wait3A_409 = arith.constant 0 : i32
        %dma_wait3A_410 = tpu.memref_slice %arg5[%run_scoped3A_387, %dma_wait3A_409] : memref<2x80000xi32, #tpu.memory_space<hbm>> -> memref<1x80000xi32, #tpu.memory_space<hbm>>
        %dma_wait3A_411 = tpu.memref_squeeze %dma_wait3A_410 : memref<1x80000xi32, #tpu.memory_space<hbm>> -> memref<80000xi32, #tpu.memory_space<hbm>>
        %dma_wait3A_412 = tpu.memref_slice %dma_wait3A_411[%mul3A_386] : memref<80000xi32, #tpu.memory_space<hbm>> -> memref<5000xi32, #tpu.memory_space<hbm>>
        tpu.wait_dma2 semaphore(%run_scoped3A_388 : memref<!tpu.dma_semaphore, #tpu.memory_space<semaphore_mem>>) src(%dma_wait3A_412 : memref<5000xi32, #tpu.memory_space<hbm>>) dst(%dma_wait3A_408 : memref<5000xi32, #tpu.memory_space<vmem>>)
        tpu.yield
      }) : () -> ()
    } else {
    }
    %barrier3A = arith.constant 0 : index
    tpu.barrier barrier_id(%barrier3A)
    %dma_start3A = arith.constant 0 : i32
    %dma_start3A_112 = arith.constant 0 : i32
    %dma_start3A_113 = arith.constant 0 : i32
    %dma_start3A_114 = tpu.memref_slice %arg11[%dma_start3A, %dma_start3A_112, %dma_start3A_113] : memref<4x128x128xbf16, #tpu.memory_space<vmem>> -> memref<1x128x128xbf16, #tpu.memory_space<vmem>>
    %dma_start3A_115 = tpu.memref_squeeze %dma_start3A_114 : memref<1x128x128xbf16, #tpu.memory_space<vmem>> -> memref<128x128xbf16, #tpu.memory_space<vmem>>
    %dma_start3A_116 = arith.constant 0 : i32
    %dma_start3A_117 = tpu.memref_slice %arg9[%dma_start3A_116] : memref<5120xi32, #tpu.memory_space<vmem>> -> memref<128xi32, #tpu.memory_space<vmem>>
    %dma_start3A_118 = arith.constant 0 : i32
    %dma_start3A_119 = arith.constant 0 : i32
    %dma_start3A_120 = tpu.memref_slice %arg13[%dma_start3A_118, %dma_start3A_119] : memref<10000x128xbf16, #tpu.memory_space<vmem_shared>> -> memref<10000x128xbf16, #tpu.memory_space<vmem_shared>>
    tpu.enqueue_indirect_dma source(%dma_start3A_120 : memref<10000x128xbf16, #tpu.memory_space<vmem_shared>>) target(%dma_start3A_115 : memref<128x128xbf16, #tpu.memory_space<vmem>>) offsets(%dma_start3A_117 : memref<128xi32, #tpu.memory_space<vmem>>) semaphore(%arg14 : memref<!tpu.dma_semaphore, #tpu.memory_space<semaphore_mem>>)
    %dma_start3A_121 = arith.constant 1 : i32
    %dma_start3A_122 = arith.constant 0 : i32
    %dma_start3A_123 = arith.constant 0 : i32
    %dma_start3A_124 = tpu.memref_slice %arg11[%dma_start3A_121, %dma_start3A_122, %dma_start3A_123] : memref<4x128x128xbf16, #tpu.memory_space<vmem>> -> memref<1x128x128xbf16, #tpu.memory_space<vmem>>
    %dma_start3A_125 = tpu.memref_squeeze %dma_start3A_124 : memref<1x128x128xbf16, #tpu.memory_space<vmem>> -> memref<128x128xbf16, #tpu.memory_space<vmem>>
    %dma_start3A_126 = arith.constant 128 : i32
    %dma_start3A_127 = tpu.memref_slice %arg9[%dma_start3A_126] : memref<5120xi32, #tpu.memory_space<vmem>> -> memref<128xi32, #tpu.memory_space<vmem>>
    %dma_start3A_128 = arith.constant 0 : i32
    %dma_start3A_129 = arith.constant 0 : i32
    %dma_start3A_130 = tpu.memref_slice %arg13[%dma_start3A_128, %dma_start3A_129] : memref<10000x128xbf16, #tpu.memory_space<vmem_shared>> -> memref<10000x128xbf16, #tpu.memory_space<vmem_shared>>
    tpu.enqueue_indirect_dma source(%dma_start3A_130 : memref<10000x128xbf16, #tpu.memory_space<vmem_shared>>) target(%dma_start3A_125 : memref<128x128xbf16, #tpu.memory_space<vmem>>) offsets(%dma_start3A_127 : memref<128xi32, #tpu.memory_space<vmem>>) semaphore(%arg15 : memref<!tpu.dma_semaphore, #tpu.memory_space<semaphore_mem>>)
    %dma_start3A_131 = arith.constant 2 : i32
    %dma_start3A_132 = arith.constant 0 : i32
    %dma_start3A_133 = arith.constant 0 : i32
    %dma_start3A_134 = tpu.memref_slice %arg11[%dma_start3A_131, %dma_start3A_132, %dma_start3A_133] : memref<4x128x128xbf16, #tpu.memory_space<vmem>> -> memref<1x128x128xbf16, #tpu.memory_space<vmem>>
    %dma_start3A_135 = tpu.memref_squeeze %dma_start3A_134 : memref<1x128x128xbf16, #tpu.memory_space<vmem>> -> memref<128x128xbf16, #tpu.memory_space<vmem>>
    %dma_start3A_136 = arith.constant 256 : i32
    %dma_start3A_137 = tpu.memref_slice %arg9[%dma_start3A_136] : memref<5120xi32, #tpu.memory_space<vmem>> -> memref<128xi32, #tpu.memory_space<vmem>>
    %dma_start3A_138 = arith.constant 0 : i32
    %dma_start3A_139 = arith.constant 0 : i32
    %dma_start3A_140 = tpu.memref_slice %arg13[%dma_start3A_138, %dma_start3A_139] : memref<10000x128xbf16, #tpu.memory_space<vmem_shared>> -> memref<10000x128xbf16, #tpu.memory_space<vmem_shared>>
    tpu.enqueue_indirect_dma source(%dma_start3A_140 : memref<10000x128xbf16, #tpu.memory_space<vmem_shared>>) target(%dma_start3A_135 : memref<128x128xbf16, #tpu.memory_space<vmem>>) offsets(%dma_start3A_137 : memref<128xi32, #tpu.memory_space<vmem>>) semaphore(%arg16 : memref<!tpu.dma_semaphore, #tpu.memory_space<semaphore_mem>>)
    %scan3A = arith.constant 0 : i32
    %scan3A_141 = arith.constant 0 : i32
    %scan3A_142 = arith.constant 10 : i32
    %scan3A_143 = arith.addi %scan3A_141, %scan3A_142 : i32
    %scan3A_144 = arith.constant 1 : i32
    scf.for %scan3A_383 = %scan3A_141 to %scan3A_143 step %scan3A_144  : i32 {
      %mul3A_384 = arith.constant 4 : i32
      %mul3A_385 = arith.muli %mul3A_384, %scan3A_383 : i32
      %add3A_386 = arith.constant 0 : i32
      %add3A_387 = arith.addi %mul3A_385, %add3A_386 : i32
      %mul3A_388 = arith.constant 128 : i32
      %mul3A_389 = arith.muli %add3A_387, %mul3A_388 : i32
      %dma_wait3A_390 = arith.constant 0 : i32
      %dma_wait3A_391 = arith.constant 0 : i32
      %dma_wait3A_392 = arith.constant 0 : i32
      %dma_wait3A_393 = tpu.memref_slice %arg11[%dma_wait3A_390, %dma_wait3A_391, %dma_wait3A_392] : memref<4x128x128xbf16, #tpu.memory_space<vmem>> -> memref<1x128x128xbf16, #tpu.memory_space<vmem>>
      %dma_wait3A_394 = tpu.memref_squeeze %dma_wait3A_393 : memref<1x128x128xbf16, #tpu.memory_space<vmem>> -> memref<128x128xbf16, #tpu.memory_space<vmem>>
      %dma_wait3A_395 = tpu.memref_slice %arg9[%mul3A_389] : memref<5120xi32, #tpu.memory_space<vmem>> -> memref<128xi32, #tpu.memory_space<vmem>>
      %dma_wait3A_396 = arith.constant 0 : i32
      %dma_wait3A_397 = arith.constant 0 : i32
      %dma_wait3A_398 = tpu.memref_slice %arg13[%dma_wait3A_396, %dma_wait3A_397] : memref<10000x128xbf16, #tpu.memory_space<vmem_shared>> -> memref<10000x128xbf16, #tpu.memory_space<vmem_shared>>
      tpu.wait_indirect_dma semaphore(%arg14 : memref<!tpu.dma_semaphore, #tpu.memory_space<semaphore_mem>>) src(%dma_wait3A_398 : memref<10000x128xbf16, #tpu.memory_space<vmem_shared>>) dst(%dma_wait3A_394 : memref<128x128xbf16, #tpu.memory_space<vmem>>)
      %mul3A_399 = arith.constant 128 : i32
      %mul3A_400 = arith.muli %add3A_387, %mul3A_399 : i32
      %dma_start3A_401 = arith.constant 0 : i32
      %dma_start3A_402 = arith.constant 0 : i32
      %dma_start3A_403 = arith.constant 0 : i32
      %dma_start3A_404 = tpu.memref_slice %arg11[%dma_start3A_401, %dma_start3A_402, %dma_start3A_403] : memref<4x128x128xbf16, #tpu.memory_space<vmem>> -> memref<1x128x128xbf16, #tpu.memory_space<vmem>>
      %dma_start3A_405 = tpu.memref_squeeze %dma_start3A_404 : memref<1x128x128xbf16, #tpu.memory_space<vmem>> -> memref<128x128xbf16, #tpu.memory_space<vmem>>
      %dma_start3A_406 = tpu.memref_slice %arg10[%mul3A_400] : memref<5120xi32, #tpu.memory_space<vmem>> -> memref<128xi32, #tpu.memory_space<vmem>>
      %dma_start3A_407 = arith.constant 0 : i32
      %dma_start3A_408 = arith.constant 0 : i32
      %dma_start3A_409 = tpu.memref_slice %arg12[%dma_start3A_407, %dma_start3A_408] : memref<10240x128xbf16, #tpu.memory_space<vmem_shared>> -> memref<10240x128xbf16, #tpu.memory_space<vmem_shared>>
      tpu.enqueue_indirect_dma source(%dma_start3A_405 : memref<128x128xbf16, #tpu.memory_space<vmem>>) target(%dma_start3A_409 : memref<10240x128xbf16, #tpu.memory_space<vmem_shared>>) offsets(%dma_start3A_406 : memref<128xi32, #tpu.memory_space<vmem>>) semaphore(%arg18 : memref<!tpu.dma_semaphore, #tpu.memory_space<semaphore_mem>>) {add = true}
      %add3A_410 = arith.constant 4 : i32
      %add3A_411 = arith.addi %add3A_387, %add3A_410 : i32
      %sub3A = arith.constant 1 : i32
      %sub3A_412 = arith.subi %add3A_411, %sub3A : i32
      %lt3A = arith.constant 40 : i32
      %lt3A_413 = arith.cmpi slt, %sub3A_412, %lt3A : i32
      %convert_element_type3A_414 = arith.extui %lt3A_413 : i1 to i32
      %cond3A_415 = arith.constant 0 : i32
      %cond3A_416 = arith.cmpi ne, %convert_element_type3A_414, %cond3A_415 : i32
      scf.if %cond3A_416 {
        %gt3A = arith.constant 0 : i32
        %gt3A_522 = arith.cmpi sgt, %scan3A_383, %gt3A : i32
        %convert_element_type3A_523 = arith.extui %gt3A_522 : i1 to i32
        %cond3A_524 = arith.constant 0 : i32
        %cond3A_525 = arith.cmpi ne, %convert_element_type3A_523, %cond3A_524 : i32
        scf.if %cond3A_525 {
          %sub3A_541 = arith.constant 1 : i32
          %sub3A_542 = arith.subi %add3A_387, %sub3A_541 : i32
          %mul3A_543 = arith.constant 128 : i32
          %mul3A_544 = arith.muli %sub3A_542, %mul3A_543 : i32
          %dma_wait3A_545 = arith.constant 3 : i32
          %dma_wait3A_546 = arith.constant 0 : i32
          %dma_wait3A_547 = arith.constant 0 : i32
          %dma_wait3A_548 = tpu.memref_slice %arg11[%dma_wait3A_545, %dma_wait3A_546, %dma_wait3A_547] : memref<4x128x128xbf16, #tpu.memory_space<vmem>> -> memref<1x128x128xbf16, #tpu.memory_space<vmem>>
          %dma_wait3A_549 = tpu.memref_squeeze %dma_wait3A_548 : memref<1x128x128xbf16, #tpu.memory_space<vmem>> -> memref<128x128xbf16, #tpu.memory_space<vmem>>
          %dma_wait3A_550 = tpu.memref_slice %arg10[%mul3A_544] : memref<5120xi32, #tpu.memory_space<vmem>> -> memref<128xi32, #tpu.memory_space<vmem>>
          %dma_wait3A_551 = arith.constant 0 : i32
          %dma_wait3A_552 = arith.constant 0 : i32
          %dma_wait3A_553 = tpu.memref_slice %arg12[%dma_wait3A_551, %dma_wait3A_552] : memref<10240x128xbf16, #tpu.memory_space<vmem_shared>> -> memref<10240x128xbf16, #tpu.memory_space<vmem_shared>>
          tpu.wait_indirect_dma semaphore(%arg21 : memref<!tpu.dma_semaphore, #tpu.memory_space<semaphore_mem>>) src(%dma_wait3A_549 : memref<128x128xbf16, #tpu.memory_space<vmem>>) dst(%dma_wait3A_553 : memref<10240x128xbf16, #tpu.memory_space<vmem_shared>>)
        } else {
        }
        %add3A_526 = arith.constant 4 : i32
        %add3A_527 = arith.addi %add3A_387, %add3A_526 : i32
        %sub3A_528 = arith.constant 1 : i32
        %sub3A_529 = arith.subi %add3A_527, %sub3A_528 : i32
        %mul3A_530 = arith.constant 128 : i32
        %mul3A_531 = arith.muli %sub3A_529, %mul3A_530 : i32
        %dma_start3A_532 = arith.constant 3 : i32
        %dma_start3A_533 = arith.constant 0 : i32
        %dma_start3A_534 = arith.constant 0 : i32
        %dma_start3A_535 = tpu.memref_slice %arg11[%dma_start3A_532, %dma_start3A_533, %dma_start3A_534] : memref<4x128x128xbf16, #tpu.memory_space<vmem>> -> memref<1x128x128xbf16, #tpu.memory_space<vmem>>
        %dma_start3A_536 = tpu.memref_squeeze %dma_start3A_535 : memref<1x128x128xbf16, #tpu.memory_space<vmem>> -> memref<128x128xbf16, #tpu.memory_space<vmem>>
        %dma_start3A_537 = tpu.memref_slice %arg9[%mul3A_531] : memref<5120xi32, #tpu.memory_space<vmem>> -> memref<128xi32, #tpu.memory_space<vmem>>
        %dma_start3A_538 = arith.constant 0 : i32
        %dma_start3A_539 = arith.constant 0 : i32
        %dma_start3A_540 = tpu.memref_slice %arg13[%dma_start3A_538, %dma_start3A_539] : memref<10000x128xbf16, #tpu.memory_space<vmem_shared>> -> memref<10000x128xbf16, #tpu.memory_space<vmem_shared>>
        tpu.enqueue_indirect_dma source(%dma_start3A_540 : memref<10000x128xbf16, #tpu.memory_space<vmem_shared>>) target(%dma_start3A_536 : memref<128x128xbf16, #tpu.memory_space<vmem>>) offsets(%dma_start3A_537 : memref<128xi32, #tpu.memory_space<vmem>>) semaphore(%arg17 : memref<!tpu.dma_semaphore, #tpu.memory_space<semaphore_mem>>)
      } else {
      }
      %mul3A_417 = arith.constant 4 : i32
      %mul3A_418 = arith.muli %mul3A_417, %scan3A_383 : i32
      %add3A_419 = arith.constant 1 : i32
      %add3A_420 = arith.addi %mul3A_418, %add3A_419 : i32
      %mul3A_421 = arith.constant 128 : i32
      %mul3A_422 = arith.muli %add3A_420, %mul3A_421 : i32
      %dma_wait3A_423 = arith.constant 1 : i32
      %dma_wait3A_424 = arith.constant 0 : i32
      %dma_wait3A_425 = arith.constant 0 : i32
      %dma_wait3A_426 = tpu.memref_slice %arg11[%dma_wait3A_423, %dma_wait3A_424, %dma_wait3A_425] : memref<4x128x128xbf16, #tpu.memory_space<vmem>> -> memref<1x128x128xbf16, #tpu.memory_space<vmem>>
      %dma_wait3A_427 = tpu.memref_squeeze %dma_wait3A_426 : memref<1x128x128xbf16, #tpu.memory_space<vmem>> -> memref<128x128xbf16, #tpu.memory_space<vmem>>
      %dma_wait3A_428 = tpu.memref_slice %arg9[%mul3A_422] : memref<5120xi32, #tpu.memory_space<vmem>> -> memref<128xi32, #tpu.memory_space<vmem>>
      %dma_wait3A_429 = arith.constant 0 : i32
      %dma_wait3A_430 = arith.constant 0 : i32
      %dma_wait3A_431 = tpu.memref_slice %arg13[%dma_wait3A_429, %dma_wait3A_430] : memref<10000x128xbf16, #tpu.memory_space<vmem_shared>> -> memref<10000x128xbf16, #tpu.memory_space<vmem_shared>>
      tpu.wait_indirect_dma semaphore(%arg15 : memref<!tpu.dma_semaphore, #tpu.memory_space<semaphore_mem>>) src(%dma_wait3A_431 : memref<10000x128xbf16, #tpu.memory_space<vmem_shared>>) dst(%dma_wait3A_427 : memref<128x128xbf16, #tpu.memory_space<vmem>>)
      %mul3A_432 = arith.constant 128 : i32
      %mul3A_433 = arith.muli %add3A_420, %mul3A_432 : i32
      %dma_start3A_434 = arith.constant 1 : i32
      %dma_start3A_435 = arith.constant 0 : i32
      %dma_start3A_436 = arith.constant 0 : i32
      %dma_start3A_437 = tpu.memref_slice %arg11[%dma_start3A_434, %dma_start3A_435, %dma_start3A_436] : memref<4x128x128xbf16, #tpu.memory_space<vmem>> -> memref<1x128x128xbf16, #tpu.memory_space<vmem>>
      %dma_start3A_438 = tpu.memref_squeeze %dma_start3A_437 : memref<1x128x128xbf16, #tpu.memory_space<vmem>> -> memref<128x128xbf16, #tpu.memory_space<vmem>>
      %dma_start3A_439 = tpu.memref_slice %arg10[%mul3A_433] : memref<5120xi32, #tpu.memory_space<vmem>> -> memref<128xi32, #tpu.memory_space<vmem>>
      %dma_start3A_440 = arith.constant 0 : i32
      %dma_start3A_441 = arith.constant 0 : i32
      %dma_start3A_442 = tpu.memref_slice %arg12[%dma_start3A_440, %dma_start3A_441] : memref<10240x128xbf16, #tpu.memory_space<vmem_shared>> -> memref<10240x128xbf16, #tpu.memory_space<vmem_shared>>
      tpu.enqueue_indirect_dma source(%dma_start3A_438 : memref<128x128xbf16, #tpu.memory_space<vmem>>) target(%dma_start3A_442 : memref<10240x128xbf16, #tpu.memory_space<vmem_shared>>) offsets(%dma_start3A_439 : memref<128xi32, #tpu.memory_space<vmem>>) semaphore(%arg19 : memref<!tpu.dma_semaphore, #tpu.memory_space<semaphore_mem>>) {add = true}
      %add3A_443 = arith.constant 4 : i32
      %add3A_444 = arith.addi %add3A_420, %add3A_443 : i32
      %sub3A_445 = arith.constant 1 : i32
      %sub3A_446 = arith.subi %add3A_444, %sub3A_445 : i32
      %lt3A_447 = arith.constant 40 : i32
      %lt3A_448 = arith.cmpi slt, %sub3A_446, %lt3A_447 : i32
      %convert_element_type3A_449 = arith.extui %lt3A_448 : i1 to i32
      %cond3A_450 = arith.constant 0 : i32
      %cond3A_451 = arith.cmpi ne, %convert_element_type3A_449, %cond3A_450 : i32
      scf.if %cond3A_451 {
        %sub3A_522 = arith.constant 1 : i32
        %sub3A_523 = arith.subi %add3A_420, %sub3A_522 : i32
        %mul3A_524 = arith.constant 128 : i32
        %mul3A_525 = arith.muli %sub3A_523, %mul3A_524 : i32
        %dma_wait3A_526 = arith.constant 0 : i32
        %dma_wait3A_527 = arith.constant 0 : i32
        %dma_wait3A_528 = arith.constant 0 : i32
        %dma_wait3A_529 = tpu.memref_slice %arg11[%dma_wait3A_526, %dma_wait3A_527, %dma_wait3A_528] : memref<4x128x128xbf16, #tpu.memory_space<vmem>> -> memref<1x128x128xbf16, #tpu.memory_space<vmem>>
        %dma_wait3A_530 = tpu.memref_squeeze %dma_wait3A_529 : memref<1x128x128xbf16, #tpu.memory_space<vmem>> -> memref<128x128xbf16, #tpu.memory_space<vmem>>
        %dma_wait3A_531 = tpu.memref_slice %arg10[%mul3A_525] : memref<5120xi32, #tpu.memory_space<vmem>> -> memref<128xi32, #tpu.memory_space<vmem>>
        %dma_wait3A_532 = arith.constant 0 : i32
        %dma_wait3A_533 = arith.constant 0 : i32
        %dma_wait3A_534 = tpu.memref_slice %arg12[%dma_wait3A_532, %dma_wait3A_533] : memref<10240x128xbf16, #tpu.memory_space<vmem_shared>> -> memref<10240x128xbf16, #tpu.memory_space<vmem_shared>>
        tpu.wait_indirect_dma semaphore(%arg18 : memref<!tpu.dma_semaphore, #tpu.memory_space<semaphore_mem>>) src(%dma_wait3A_530 : memref<128x128xbf16, #tpu.memory_space<vmem>>) dst(%dma_wait3A_534 : memref<10240x128xbf16, #tpu.memory_space<vmem_shared>>)
        %add3A_535 = arith.constant 4 : i32
        %add3A_536 = arith.addi %add3A_420, %add3A_535 : i32
        %sub3A_537 = arith.constant 1 : i32
        %sub3A_538 = arith.subi %add3A_536, %sub3A_537 : i32
        %mul3A_539 = arith.constant 128 : i32
        %mul3A_540 = arith.muli %sub3A_538, %mul3A_539 : i32
        %dma_start3A_541 = arith.constant 0 : i32
        %dma_start3A_542 = arith.constant 0 : i32
        %dma_start3A_543 = arith.constant 0 : i32
        %dma_start3A_544 = tpu.memref_slice %arg11[%dma_start3A_541, %dma_start3A_542, %dma_start3A_543] : memref<4x128x128xbf16, #tpu.memory_space<vmem>> -> memref<1x128x128xbf16, #tpu.memory_space<vmem>>
        %dma_start3A_545 = tpu.memref_squeeze %dma_start3A_544 : memref<1x128x128xbf16, #tpu.memory_space<vmem>> -> memref<128x128xbf16, #tpu.memory_space<vmem>>
        %dma_start3A_546 = tpu.memref_slice %arg9[%mul3A_540] : memref<5120xi32, #tpu.memory_space<vmem>> -> memref<128xi32, #tpu.memory_space<vmem>>
        %dma_start3A_547 = arith.constant 0 : i32
        %dma_start3A_548 = arith.constant 0 : i32
        %dma_start3A_549 = tpu.memref_slice %arg13[%dma_start3A_547, %dma_start3A_548] : memref<10000x128xbf16, #tpu.memory_space<vmem_shared>> -> memref<10000x128xbf16, #tpu.memory_space<vmem_shared>>
        tpu.enqueue_indirect_dma source(%dma_start3A_549 : memref<10000x128xbf16, #tpu.memory_space<vmem_shared>>) target(%dma_start3A_545 : memref<128x128xbf16, #tpu.memory_space<vmem>>) offsets(%dma_start3A_546 : memref<128xi32, #tpu.memory_space<vmem>>) semaphore(%arg14 : memref<!tpu.dma_semaphore, #tpu.memory_space<semaphore_mem>>)
      } else {
      }
      %mul3A_452 = arith.constant 4 : i32
      %mul3A_453 = arith.muli %mul3A_452, %scan3A_383 : i32
      %add3A_454 = arith.constant 2 : i32
      %add3A_455 = arith.addi %mul3A_453, %add3A_454 : i32
      %mul3A_456 = arith.constant 128 : i32
      %mul3A_457 = arith.muli %add3A_455, %mul3A_456 : i32
      %dma_wait3A_458 = arith.constant 2 : i32
      %dma_wait3A_459 = arith.constant 0 : i32
      %dma_wait3A_460 = arith.constant 0 : i32
      %dma_wait3A_461 = tpu.memref_slice %arg11[%dma_wait3A_458, %dma_wait3A_459, %dma_wait3A_460] : memref<4x128x128xbf16, #tpu.memory_space<vmem>> -> memref<1x128x128xbf16, #tpu.memory_space<vmem>>
      %dma_wait3A_462 = tpu.memref_squeeze %dma_wait3A_461 : memref<1x128x128xbf16, #tpu.memory_space<vmem>> -> memref<128x128xbf16, #tpu.memory_space<vmem>>
      %dma_wait3A_463 = tpu.memref_slice %arg9[%mul3A_457] : memref<5120xi32, #tpu.memory_space<vmem>> -> memref<128xi32, #tpu.memory_space<vmem>>
      %dma_wait3A_464 = arith.constant 0 : i32
      %dma_wait3A_465 = arith.constant 0 : i32
      %dma_wait3A_466 = tpu.memref_slice %arg13[%dma_wait3A_464, %dma_wait3A_465] : memref<10000x128xbf16, #tpu.memory_space<vmem_shared>> -> memref<10000x128xbf16, #tpu.memory_space<vmem_shared>>
      tpu.wait_indirect_dma semaphore(%arg16 : memref<!tpu.dma_semaphore, #tpu.memory_space<semaphore_mem>>) src(%dma_wait3A_466 : memref<10000x128xbf16, #tpu.memory_space<vmem_shared>>) dst(%dma_wait3A_462 : memref<128x128xbf16, #tpu.memory_space<vmem>>)
      %mul3A_467 = arith.constant 128 : i32
      %mul3A_468 = arith.muli %add3A_455, %mul3A_467 : i32
      %dma_start3A_469 = arith.constant 2 : i32
      %dma_start3A_470 = arith.constant 0 : i32
      %dma_start3A_471 = arith.constant 0 : i32
      %dma_start3A_472 = tpu.memref_slice %arg11[%dma_start3A_469, %dma_start3A_470, %dma_start3A_471] : memref<4x128x128xbf16, #tpu.memory_space<vmem>> -> memref<1x128x128xbf16, #tpu.memory_space<vmem>>
      %dma_start3A_473 = tpu.memref_squeeze %dma_start3A_472 : memref<1x128x128xbf16, #tpu.memory_space<vmem>> -> memref<128x128xbf16, #tpu.memory_space<vmem>>
      %dma_start3A_474 = tpu.memref_slice %arg10[%mul3A_468] : memref<5120xi32, #tpu.memory_space<vmem>> -> memref<128xi32, #tpu.memory_space<vmem>>
      %dma_start3A_475 = arith.constant 0 : i32
      %dma_start3A_476 = arith.constant 0 : i32
      %dma_start3A_477 = tpu.memref_slice %arg12[%dma_start3A_475, %dma_start3A_476] : memref<10240x128xbf16, #tpu.memory_space<vmem_shared>> -> memref<10240x128xbf16, #tpu.memory_space<vmem_shared>>
      tpu.enqueue_indirect_dma source(%dma_start3A_473 : memref<128x128xbf16, #tpu.memory_space<vmem>>) target(%dma_start3A_477 : memref<10240x128xbf16, #tpu.memory_space<vmem_shared>>) offsets(%dma_start3A_474 : memref<128xi32, #tpu.memory_space<vmem>>) semaphore(%arg20 : memref<!tpu.dma_semaphore, #tpu.memory_space<semaphore_mem>>) {add = true}
      %add3A_478 = arith.constant 4 : i32
      %add3A_479 = arith.addi %add3A_455, %add3A_478 : i32
      %sub3A_480 = arith.constant 1 : i32
      %sub3A_481 = arith.subi %add3A_479, %sub3A_480 : i32
      %lt3A_482 = arith.constant 40 : i32
      %lt3A_483 = arith.cmpi slt, %sub3A_481, %lt3A_482 : i32
      %convert_element_type3A_484 = arith.extui %lt3A_483 : i1 to i32
      %cond3A_485 = arith.constant 0 : i32
      %cond3A_486 = arith.cmpi ne, %convert_element_type3A_484, %cond3A_485 : i32
      scf.if %cond3A_486 {
        %sub3A_522 = arith.constant 1 : i32
        %sub3A_523 = arith.subi %add3A_455, %sub3A_522 : i32
        %mul3A_524 = arith.constant 128 : i32
        %mul3A_525 = arith.muli %sub3A_523, %mul3A_524 : i32
        %dma_wait3A_526 = arith.constant 1 : i32
        %dma_wait3A_527 = arith.constant 0 : i32
        %dma_wait3A_528 = arith.constant 0 : i32
        %dma_wait3A_529 = tpu.memref_slice %arg11[%dma_wait3A_526, %dma_wait3A_527, %dma_wait3A_528] : memref<4x128x128xbf16, #tpu.memory_space<vmem>> -> memref<1x128x128xbf16, #tpu.memory_space<vmem>>
        %dma_wait3A_530 = tpu.memref_squeeze %dma_wait3A_529 : memref<1x128x128xbf16, #tpu.memory_space<vmem>> -> memref<128x128xbf16, #tpu.memory_space<vmem>>
        %dma_wait3A_531 = tpu.memref_slice %arg10[%mul3A_525] : memref<5120xi32, #tpu.memory_space<vmem>> -> memref<128xi32, #tpu.memory_space<vmem>>
        %dma_wait3A_532 = arith.constant 0 : i32
        %dma_wait3A_533 = arith.constant 0 : i32
        %dma_wait3A_534 = tpu.memref_slice %arg12[%dma_wait3A_532, %dma_wait3A_533] : memref<10240x128xbf16, #tpu.memory_space<vmem_shared>> -> memref<10240x128xbf16, #tpu.memory_space<vmem_shared>>
        tpu.wait_indirect_dma semaphore(%arg19 : memref<!tpu.dma_semaphore, #tpu.memory_space<semaphore_mem>>) src(%dma_wait3A_530 : memref<128x128xbf16, #tpu.memory_space<vmem>>) dst(%dma_wait3A_534 : memref<10240x128xbf16, #tpu.memory_space<vmem_shared>>)
        %add3A_535 = arith.constant 4 : i32
        %add3A_536 = arith.addi %add3A_455, %add3A_535 : i32
        %sub3A_537 = arith.constant 1 : i32
        %sub3A_538 = arith.subi %add3A_536, %sub3A_537 : i32
        %mul3A_539 = arith.constant 128 : i32
        %mul3A_540 = arith.muli %sub3A_538, %mul3A_539 : i32
        %dma_start3A_541 = arith.constant 1 : i32
        %dma_start3A_542 = arith.constant 0 : i32
        %dma_start3A_543 = arith.constant 0 : i32
        %dma_start3A_544 = tpu.memref_slice %arg11[%dma_start3A_541, %dma_start3A_542, %dma_start3A_543] : memref<4x128x128xbf16, #tpu.memory_space<vmem>> -> memref<1x128x128xbf16, #tpu.memory_space<vmem>>
        %dma_start3A_545 = tpu.memref_squeeze %dma_start3A_544 : memref<1x128x128xbf16, #tpu.memory_space<vmem>> -> memref<128x128xbf16, #tpu.memory_space<vmem>>
        %dma_start3A_546 = tpu.memref_slice %arg9[%mul3A_540] : memref<5120xi32, #tpu.memory_space<vmem>> -> memref<128xi32, #tpu.memory_space<vmem>>
        %dma_start3A_547 = arith.constant 0 : i32
        %dma_start3A_548 = arith.constant 0 : i32
        %dma_start3A_549 = tpu.memref_slice %arg13[%dma_start3A_547, %dma_start3A_548] : memref<10000x128xbf16, #tpu.memory_space<vmem_shared>> -> memref<10000x128xbf16, #tpu.memory_space<vmem_shared>>
        tpu.enqueue_indirect_dma source(%dma_start3A_549 : memref<10000x128xbf16, #tpu.memory_space<vmem_shared>>) target(%dma_start3A_545 : memref<128x128xbf16, #tpu.memory_space<vmem>>) offsets(%dma_start3A_546 : memref<128xi32, #tpu.memory_space<vmem>>) semaphore(%arg15 : memref<!tpu.dma_semaphore, #tpu.memory_space<semaphore_mem>>)
      } else {
      }
      %mul3A_487 = arith.constant 4 : i32
      %mul3A_488 = arith.muli %mul3A_487, %scan3A_383 : i32
      %add3A_489 = arith.constant 3 : i32
      %add3A_490 = arith.addi %mul3A_488, %add3A_489 : i32
      %mul3A_491 = arith.constant 128 : i32
      %mul3A_492 = arith.muli %add3A_490, %mul3A_491 : i32
      %dma_wait3A_493 = arith.constant 3 : i32
      %dma_wait3A_494 = arith.constant 0 : i32
      %dma_wait3A_495 = arith.constant 0 : i32
      %dma_wait3A_496 = tpu.memref_slice %arg11[%dma_wait3A_493, %dma_wait3A_494, %dma_wait3A_495] : memref<4x128x128xbf16, #tpu.memory_space<vmem>> -> memref<1x128x128xbf16, #tpu.memory_space<vmem>>
      %dma_wait3A_497 = tpu.memref_squeeze %dma_wait3A_496 : memref<1x128x128xbf16, #tpu.memory_space<vmem>> -> memref<128x128xbf16, #tpu.memory_space<vmem>>
      %dma_wait3A_498 = tpu.memref_slice %arg9[%mul3A_492] : memref<5120xi32, #tpu.memory_space<vmem>> -> memref<128xi32, #tpu.memory_space<vmem>>
      %dma_wait3A_499 = arith.constant 0 : i32
      %dma_wait3A_500 = arith.constant 0 : i32
      %dma_wait3A_501 = tpu.memref_slice %arg13[%dma_wait3A_499, %dma_wait3A_500] : memref<10000x128xbf16, #tpu.memory_space<vmem_shared>> -> memref<10000x128xbf16, #tpu.memory_space<vmem_shared>>
      tpu.wait_indirect_dma semaphore(%arg17 : memref<!tpu.dma_semaphore, #tpu.memory_space<semaphore_mem>>) src(%dma_wait3A_501 : memref<10000x128xbf16, #tpu.memory_space<vmem_shared>>) dst(%dma_wait3A_497 : memref<128x128xbf16, #tpu.memory_space<vmem>>)
      %mul3A_502 = arith.constant 128 : i32
      %mul3A_503 = arith.muli %add3A_490, %mul3A_502 : i32
      %dma_start3A_504 = arith.constant 3 : i32
      %dma_start3A_505 = arith.constant 0 : i32
      %dma_start3A_506 = arith.constant 0 : i32
      %dma_start3A_507 = tpu.memref_slice %arg11[%dma_start3A_504, %dma_start3A_505, %dma_start3A_506] : memref<4x128x128xbf16, #tpu.memory_space<vmem>> -> memref<1x128x128xbf16, #tpu.memory_space<vmem>>
      %dma_start3A_508 = tpu.memref_squeeze %dma_start3A_507 : memref<1x128x128xbf16, #tpu.memory_space<vmem>> -> memref<128x128xbf16, #tpu.memory_space<vmem>>
      %dma_start3A_509 = tpu.memref_slice %arg10[%mul3A_503] : memref<5120xi32, #tpu.memory_space<vmem>> -> memref<128xi32, #tpu.memory_space<vmem>>
      %dma_start3A_510 = arith.constant 0 : i32
      %dma_start3A_511 = arith.constant 0 : i32
      %dma_start3A_512 = tpu.memref_slice %arg12[%dma_start3A_510, %dma_start3A_511] : memref<10240x128xbf16, #tpu.memory_space<vmem_shared>> -> memref<10240x128xbf16, #tpu.memory_space<vmem_shared>>
      tpu.enqueue_indirect_dma source(%dma_start3A_508 : memref<128x128xbf16, #tpu.memory_space<vmem>>) target(%dma_start3A_512 : memref<10240x128xbf16, #tpu.memory_space<vmem_shared>>) offsets(%dma_start3A_509 : memref<128xi32, #tpu.memory_space<vmem>>) semaphore(%arg21 : memref<!tpu.dma_semaphore, #tpu.memory_space<semaphore_mem>>) {add = true}
      %add3A_513 = arith.constant 4 : i32
      %add3A_514 = arith.addi %add3A_490, %add3A_513 : i32
      %sub3A_515 = arith.constant 1 : i32
      %sub3A_516 = arith.subi %add3A_514, %sub3A_515 : i32
      %lt3A_517 = arith.constant 40 : i32
      %lt3A_518 = arith.cmpi slt, %sub3A_516, %lt3A_517 : i32
      %convert_element_type3A_519 = arith.extui %lt3A_518 : i1 to i32
      %cond3A_520 = arith.constant 0 : i32
      %cond3A_521 = arith.cmpi ne, %convert_element_type3A_519, %cond3A_520 : i32
      scf.if %cond3A_521 {
        %sub3A_522 = arith.constant 1 : i32
        %sub3A_523 = arith.subi %add3A_490, %sub3A_522 : i32
        %mul3A_524 = arith.constant 128 : i32
        %mul3A_525 = arith.muli %sub3A_523, %mul3A_524 : i32
        %dma_wait3A_526 = arith.constant 2 : i32
        %dma_wait3A_527 = arith.constant 0 : i32
        %dma_wait3A_528 = arith.constant 0 : i32
        %dma_wait3A_529 = tpu.memref_slice %arg11[%dma_wait3A_526, %dma_wait3A_527, %dma_wait3A_528] : memref<4x128x128xbf16, #tpu.memory_space<vmem>> -> memref<1x128x128xbf16, #tpu.memory_space<vmem>>
        %dma_wait3A_530 = tpu.memref_squeeze %dma_wait3A_529 : memref<1x128x128xbf16, #tpu.memory_space<vmem>> -> memref<128x128xbf16, #tpu.memory_space<vmem>>
        %dma_wait3A_531 = tpu.memref_slice %arg10[%mul3A_525] : memref<5120xi32, #tpu.memory_space<vmem>> -> memref<128xi32, #tpu.memory_space<vmem>>
        %dma_wait3A_532 = arith.constant 0 : i32
        %dma_wait3A_533 = arith.constant 0 : i32
        %dma_wait3A_534 = tpu.memref_slice %arg12[%dma_wait3A_532, %dma_wait3A_533] : memref<10240x128xbf16, #tpu.memory_space<vmem_shared>> -> memref<10240x128xbf16, #tpu.memory_space<vmem_shared>>
        tpu.wait_indirect_dma semaphore(%arg20 : memref<!tpu.dma_semaphore, #tpu.memory_space<semaphore_mem>>) src(%dma_wait3A_530 : memref<128x128xbf16, #tpu.memory_space<vmem>>) dst(%dma_wait3A_534 : memref<10240x128xbf16, #tpu.memory_space<vmem_shared>>)
        %add3A_535 = arith.constant 4 : i32
        %add3A_536 = arith.addi %add3A_490, %add3A_535 : i32
        %sub3A_537 = arith.constant 1 : i32
        %sub3A_538 = arith.subi %add3A_536, %sub3A_537 : i32
        %mul3A_539 = arith.constant 128 : i32
        %mul3A_540 = arith.muli %sub3A_538, %mul3A_539 : i32
        %dma_start3A_541 = arith.constant 2 : i32
        %dma_start3A_542 = arith.constant 0 : i32
        %dma_start3A_543 = arith.constant 0 : i32
        %dma_start3A_544 = tpu.memref_slice %arg11[%dma_start3A_541, %dma_start3A_542, %dma_start3A_543] : memref<4x128x128xbf16, #tpu.memory_space<vmem>> -> memref<1x128x128xbf16, #tpu.memory_space<vmem>>
        %dma_start3A_545 = tpu.memref_squeeze %dma_start3A_544 : memref<1x128x128xbf16, #tpu.memory_space<vmem>> -> memref<128x128xbf16, #tpu.memory_space<vmem>>
        %dma_start3A_546 = tpu.memref_slice %arg9[%mul3A_540] : memref<5120xi32, #tpu.memory_space<vmem>> -> memref<128xi32, #tpu.memory_space<vmem>>
        %dma_start3A_547 = arith.constant 0 : i32
        %dma_start3A_548 = arith.constant 0 : i32
        %dma_start3A_549 = tpu.memref_slice %arg13[%dma_start3A_547, %dma_start3A_548] : memref<10000x128xbf16, #tpu.memory_space<vmem_shared>> -> memref<10000x128xbf16, #tpu.memory_space<vmem_shared>>
        tpu.enqueue_indirect_dma source(%dma_start3A_549 : memref<10000x128xbf16, #tpu.memory_space<vmem_shared>>) target(%dma_start3A_545 : memref<128x128xbf16, #tpu.memory_space<vmem>>) offsets(%dma_start3A_546 : memref<128xi32, #tpu.memory_space<vmem>>) semaphore(%arg16 : memref<!tpu.dma_semaphore, #tpu.memory_space<semaphore_mem>>)
      } else {
      }
    }
    %scan3A_145 = arith.constant 10 : i32
    %dma_wait3A = arith.constant 0 : i32
    %dma_wait3A_146 = arith.constant 0 : i32
    %dma_wait3A_147 = arith.constant 0 : i32
    %dma_wait3A_148 = tpu.memref_slice %arg11[%dma_wait3A, %dma_wait3A_146, %dma_wait3A_147] : memref<4x128x128xbf16, #tpu.memory_space<vmem>> -> memref<1x128x128xbf16, #tpu.memory_space<vmem>>
    %dma_wait3A_149 = tpu.memref_squeeze %dma_wait3A_148 : memref<1x128x128xbf16, #tpu.memory_space<vmem>> -> memref<128x128xbf16, #tpu.memory_space<vmem>>
    %dma_wait3A_150 = arith.constant 4608 : i32
    %dma_wait3A_151 = tpu.memref_slice %arg10[%dma_wait3A_150] : memref<5120xi32, #tpu.memory_space<vmem>> -> memref<128xi32, #tpu.memory_space<vmem>>
    %dma_wait3A_152 = arith.constant 0 : i32
    %dma_wait3A_153 = arith.constant 0 : i32
    %dma_wait3A_154 = tpu.memref_slice %arg12[%dma_wait3A_152, %dma_wait3A_153] : memref<10240x128xbf16, #tpu.memory_space<vmem_shared>> -> memref<10240x128xbf16, #tpu.memory_space<vmem_shared>>
    tpu.wait_indirect_dma semaphore(%arg18 : memref<!tpu.dma_semaphore, #tpu.memory_space<semaphore_mem>>) src(%dma_wait3A_149 : memref<128x128xbf16, #tpu.memory_space<vmem>>) dst(%dma_wait3A_154 : memref<10240x128xbf16, #tpu.memory_space<vmem_shared>>)
    %dma_wait3A_155 = arith.constant 1 : i32
    %dma_wait3A_156 = arith.constant 0 : i32
    %dma_wait3A_157 = arith.constant 0 : i32
    %dma_wait3A_158 = tpu.memref_slice %arg11[%dma_wait3A_155, %dma_wait3A_156, %dma_wait3A_157] : memref<4x128x128xbf16, #tpu.memory_space<vmem>> -> memref<1x128x128xbf16, #tpu.memory_space<vmem>>
    %dma_wait3A_159 = tpu.memref_squeeze %dma_wait3A_158 : memref<1x128x128xbf16, #tpu.memory_space<vmem>> -> memref<128x128xbf16, #tpu.memory_space<vmem>>
    %dma_wait3A_160 = arith.constant 4736 : i32
    %dma_wait3A_161 = tpu.memref_slice %arg10[%dma_wait3A_160] : memref<5120xi32, #tpu.memory_space<vmem>> -> memref<128xi32, #tpu.memory_space<vmem>>
    %dma_wait3A_162 = arith.constant 0 : i32
    %dma_wait3A_163 = arith.constant 0 : i32
    %dma_wait3A_164 = tpu.memref_slice %arg12[%dma_wait3A_162, %dma_wait3A_163] : memref<10240x128xbf16, #tpu.memory_space<vmem_shared>> -> memref<10240x128xbf16, #tpu.memory_space<vmem_shared>>
    tpu.wait_indirect_dma semaphore(%arg19 : memref<!tpu.dma_semaphore, #tpu.memory_space<semaphore_mem>>) src(%dma_wait3A_159 : memref<128x128xbf16, #tpu.memory_space<vmem>>) dst(%dma_wait3A_164 : memref<10240x128xbf16, #tpu.memory_space<vmem_shared>>)
    %dma_wait3A_165 = arith.constant 2 : i32
    %dma_wait3A_166 = arith.constant 0 : i32
    %dma_wait3A_167 = arith.constant 0 : i32
    %dma_wait3A_168 = tpu.memref_slice %arg11[%dma_wait3A_165, %dma_wait3A_166, %dma_wait3A_167] : memref<4x128x128xbf16, #tpu.memory_space<vmem>> -> memref<1x128x128xbf16, #tpu.memory_space<vmem>>
    %dma_wait3A_169 = tpu.memref_squeeze %dma_wait3A_168 : memref<1x128x128xbf16, #tpu.memory_space<vmem>> -> memref<128x128xbf16, #tpu.memory_space<vmem>>
    %dma_wait3A_170 = arith.constant 4864 : i32
    %dma_wait3A_171 = tpu.memref_slice %arg10[%dma_wait3A_170] : memref<5120xi32, #tpu.memory_space<vmem>> -> memref<128xi32, #tpu.memory_space<vmem>>
    %dma_wait3A_172 = arith.constant 0 : i32
    %dma_wait3A_173 = arith.constant 0 : i32
    %dma_wait3A_174 = tpu.memref_slice %arg12[%dma_wait3A_172, %dma_wait3A_173] : memref<10240x128xbf16, #tpu.memory_space<vmem_shared>> -> memref<10240x128xbf16, #tpu.memory_space<vmem_shared>>
    tpu.wait_indirect_dma semaphore(%arg20 : memref<!tpu.dma_semaphore, #tpu.memory_space<semaphore_mem>>) src(%dma_wait3A_169 : memref<128x128xbf16, #tpu.memory_space<vmem>>) dst(%dma_wait3A_174 : memref<10240x128xbf16, #tpu.memory_space<vmem_shared>>)
    %dma_wait3A_175 = arith.constant 3 : i32
    %dma_wait3A_176 = arith.constant 0 : i32
    %dma_wait3A_177 = arith.constant 0 : i32
    %dma_wait3A_178 = tpu.memref_slice %arg11[%dma_wait3A_175, %dma_wait3A_176, %dma_wait3A_177] : memref<4x128x128xbf16, #tpu.memory_space<vmem>> -> memref<1x128x128xbf16, #tpu.memory_space<vmem>>
    %dma_wait3A_179 = tpu.memref_squeeze %dma_wait3A_178 : memref<1x128x128xbf16, #tpu.memory_space<vmem>> -> memref<128x128xbf16, #tpu.memory_space<vmem>>
    %dma_wait3A_180 = arith.constant 4992 : i32
    %dma_wait3A_181 = tpu.memref_slice %arg10[%dma_wait3A_180] : memref<5120xi32, #tpu.memory_space<vmem>> -> memref<128xi32, #tpu.memory_space<vmem>>
    %dma_wait3A_182 = arith.constant 0 : i32
    %dma_wait3A_183 = arith.constant 0 : i32
    %dma_wait3A_184 = tpu.memref_slice %arg12[%dma_wait3A_182, %dma_wait3A_183] : memref<10240x128xbf16, #tpu.memory_space<vmem_shared>> -> memref<10240x128xbf16, #tpu.memory_space<vmem_shared>>
    tpu.wait_indirect_dma semaphore(%arg21 : memref<!tpu.dma_semaphore, #tpu.memory_space<semaphore_mem>>) src(%dma_wait3A_179 : memref<128x128xbf16, #tpu.memory_space<vmem>>) dst(%dma_wait3A_184 : memref<10240x128xbf16, #tpu.memory_space<vmem_shared>>)
    %barrier3A_185 = arith.constant 0 : index
    tpu.barrier barrier_id(%barrier3A_185)
    %mul3A_186 = arith.constant 640 : i32
    %mul3A_187 = arith.muli %arg1, %mul3A_186 : i32
    "tpu.region"() ({
      %run_scoped3A = tpu.sem_alloc : memref<!tpu.dma_semaphore, #tpu.memory_space<semaphore_mem>>
      %dma_start3A_383 = arith.constant 0 : i32
      %dma_start3A_384 = arith.constant 0 : i32
      %dma_start3A_385 = tpu.memref_slice %arg8[%add3A_8, %dma_start3A_383, %dma_start3A_384] : memref<64x640x128xbf16, #tpu.memory_space<hbm>> -> memref<1x640x128xbf16, #tpu.memory_space<hbm>>
      %dma_start3A_386 = tpu.memref_squeeze %dma_start3A_385 : memref<1x640x128xbf16, #tpu.memory_space<hbm>> -> memref<640x128xbf16, #tpu.memory_space<hbm>>
      %dma_start3A_387 = arith.constant 0 : i32
      %dma_start3A_388 = tpu.memref_slice %arg12[%mul3A_187, %dma_start3A_387] : memref<10240x128xbf16, #tpu.memory_space<vmem_shared>> -> memref<640x128xbf16, #tpu.memory_space<vmem_shared>>
      tpu.enqueue_dma source(%dma_start3A_388 : memref<640x128xbf16, #tpu.memory_space<vmem_shared>>) target(%dma_start3A_386 : memref<640x128xbf16, #tpu.memory_space<hbm>>) target_semaphore(%run_scoped3A : memref<!tpu.dma_semaphore, #tpu.memory_space<semaphore_mem>>)
      %dma_wait3A_389 = arith.constant 0 : i32
      %dma_wait3A_390 = arith.constant 0 : i32
      %dma_wait3A_391 = tpu.memref_slice %arg8[%add3A_8, %dma_wait3A_389, %dma_wait3A_390] : memref<64x640x128xbf16, #tpu.memory_space<hbm>> -> memref<1x640x128xbf16, #tpu.memory_space<hbm>>
      %dma_wait3A_392 = tpu.memref_squeeze %dma_wait3A_391 : memref<1x640x128xbf16, #tpu.memory_space<hbm>> -> memref<640x128xbf16, #tpu.memory_space<hbm>>
      %dma_wait3A_393 = arith.constant 0 : i32
      %dma_wait3A_394 = tpu.memref_slice %arg12[%mul3A_187, %dma_wait3A_393] : memref<10240x128xbf16, #tpu.memory_space<vmem_shared>> -> memref<640x128xbf16, #tpu.memory_space<vmem_shared>>
      tpu.wait_dma2 semaphore(%run_scoped3A : memref<!tpu.dma_semaphore, #tpu.memory_space<semaphore_mem>>) src(%dma_wait3A_394 : memref<640x128xbf16, #tpu.memory_space<vmem_shared>>) dst(%dma_wait3A_392 : memref<640x128xbf16, #tpu.memory_space<hbm>>)
      tpu.yield
    }) : () -> ()
    %mul3A_188 = arith.constant 2 : i32
    %mul3A_189 = arith.muli %arg0, %mul3A_188 : i32
    %add3A_190 = arith.constant 1 : i32
    %add3A_191 = arith.addi %mul3A_189, %add3A_190 : i32
    %mul3A_192 = arith.constant 16 : i32
    %mul3A_193 = arith.muli %add3A_191, %mul3A_192 : i32
    %add3A_194 = arith.addi %mul3A_193, %arg1 : i32
    %mul3A_195 = arith.constant 640 : i32
    %mul3A_196 = arith.muli %arg1, %mul3A_195 : i32
    "tpu.region"() ({
      %run_scoped3A = tpu.sem_alloc : memref<!tpu.dma_semaphore, #tpu.memory_space<semaphore_mem>>
      %dma_start3A_383 = arith.constant 0 : i32
      %dma_start3A_384 = tpu.memref_slice %arg12[%mul3A_196, %dma_start3A_383] : memref<10240x128xbf16, #tpu.memory_space<vmem_shared>> -> memref<640x128xbf16, #tpu.memory_space<vmem_shared>>
      tpu.enqueue_dma source(%arg7 : memref<640x128xbf16, #tpu.memory_space<hbm>>) target(%dma_start3A_384 : memref<640x128xbf16, #tpu.memory_space<vmem_shared>>) target_semaphore(%run_scoped3A : memref<!tpu.dma_semaphore, #tpu.memory_space<semaphore_mem>>)
      %dma_wait3A_385 = arith.constant 0 : i32
      %dma_wait3A_386 = tpu.memref_slice %arg12[%mul3A_196, %dma_wait3A_385] : memref<10240x128xbf16, #tpu.memory_space<vmem_shared>> -> memref<640x128xbf16, #tpu.memory_space<vmem_shared>>
      tpu.wait_dma2 semaphore(%run_scoped3A : memref<!tpu.dma_semaphore, #tpu.memory_space<semaphore_mem>>) src(%arg7 : memref<640x128xbf16, #tpu.memory_space<hbm>>) dst(%dma_wait3A_386 : memref<640x128xbf16, #tpu.memory_space<vmem_shared>>)
      tpu.yield
    }) : () -> ()
    %broadcast_in_dim3A_197 = arith.constant 0 : i32
    %broadcast_in_dim3A_198 = vector.broadcast %broadcast_in_dim3A_197 : i32 to vector<16xi32>
    %swap3A_199 = arith.constant 4992 : index
    %swap3A_200 = tpu.vector_load %arg9[%swap3A_199] {strides = array<i32>} : memref<5120xi32, #tpu.memory_space<vmem>>, vector<16xi32>,
    %swap3A_201 = vector.shape_cast %swap3A_200 : vector<16xi32> to vector<16xi32>
    %swap3A_202 = vector.shape_cast %broadcast_in_dim3A_198 : vector<16xi32> to vector<16xi32>
    tpu.vector_store %arg9[%swap3A_199], %swap3A_202 {strides = array<i32>} : memref<5120xi32, #tpu.memory_space<vmem>>, vector<16xi32>,
    %broadcast_in_dim3A_203 = arith.constant 10000 : i32
    %broadcast_in_dim3A_204 = vector.broadcast %broadcast_in_dim3A_203 : i32 to vector<16xi32>
    %swap3A_205 = arith.constant 4992 : index
    %swap3A_206 = tpu.vector_load %arg10[%swap3A_205] {strides = array<i32>} : memref<5120xi32, #tpu.memory_space<vmem>>, vector<16xi32>,
    %swap3A_207 = vector.shape_cast %swap3A_206 : vector<16xi32> to vector<16xi32>
    %swap3A_208 = vector.shape_cast %broadcast_in_dim3A_204 : vector<16xi32> to vector<16xi32>
    tpu.vector_store %arg10[%swap3A_205], %swap3A_208 {strides = array<i32>} : memref<5120xi32, #tpu.memory_space<vmem>>, vector<16xi32>,
    %broadcast_in_dim3A_209 = arith.constant 0 : i32
    %broadcast_in_dim3A_210 = vector.broadcast %broadcast_in_dim3A_209 : i32 to vector<16xi32>
    %swap3A_211 = arith.constant 5008 : index
    %swap3A_212 = tpu.vector_load %arg9[%swap3A_211] {strides = array<i32>} : memref<5120xi32, #tpu.memory_space<vmem>>, vector<16xi32>,
    %swap3A_213 = vector.shape_cast %swap3A_212 : vector<16xi32> to vector<16xi32>
    %swap3A_214 = vector.shape_cast %broadcast_in_dim3A_210 : vector<16xi32> to vector<16xi32>
    tpu.vector_store %arg9[%swap3A_211], %swap3A_214 {strides = array<i32>} : memref<5120xi32, #tpu.memory_space<vmem>>, vector<16xi32>,
    %broadcast_in_dim3A_215 = arith.constant 10000 : i32
    %broadcast_in_dim3A_216 = vector.broadcast %broadcast_in_dim3A_215 : i32 to vector<16xi32>
    %swap3A_217 = arith.constant 5008 : index
    %swap3A_218 = tpu.vector_load %arg10[%swap3A_217] {strides = array<i32>} : memref<5120xi32, #tpu.memory_space<vmem>>, vector<16xi32>,
    %swap3A_219 = vector.shape_cast %swap3A_218 : vector<16xi32> to vector<16xi32>
    %swap3A_220 = vector.shape_cast %broadcast_in_dim3A_216 : vector<16xi32> to vector<16xi32>
    tpu.vector_store %arg10[%swap3A_217], %swap3A_220 {strides = array<i32>} : memref<5120xi32, #tpu.memory_space<vmem>>, vector<16xi32>,
    %broadcast_in_dim3A_221 = arith.constant 0 : i32
    %broadcast_in_dim3A_222 = vector.broadcast %broadcast_in_dim3A_221 : i32 to vector<16xi32>
    %swap3A_223 = arith.constant 5024 : index
    %swap3A_224 = tpu.vector_load %arg9[%swap3A_223] {strides = array<i32>} : memref<5120xi32, #tpu.memory_space<vmem>>, vector<16xi32>,
    %swap3A_225 = vector.shape_cast %swap3A_224 : vector<16xi32> to vector<16xi32>
    %swap3A_226 = vector.shape_cast %broadcast_in_dim3A_222 : vector<16xi32> to vector<16xi32>
    tpu.vector_store %arg9[%swap3A_223], %swap3A_226 {strides = array<i32>} : memref<5120xi32, #tpu.memory_space<vmem>>, vector<16xi32>,
    %broadcast_in_dim3A_227 = arith.constant 10000 : i32
    %broadcast_in_dim3A_228 = vector.broadcast %broadcast_in_dim3A_227 : i32 to vector<16xi32>
    %swap3A_229 = arith.constant 5024 : index
    %swap3A_230 = tpu.vector_load %arg10[%swap3A_229] {strides = array<i32>} : memref<5120xi32, #tpu.memory_space<vmem>>, vector<16xi32>,
    %swap3A_231 = vector.shape_cast %swap3A_230 : vector<16xi32> to vector<16xi32>
    %swap3A_232 = vector.shape_cast %broadcast_in_dim3A_228 : vector<16xi32> to vector<16xi32>
    tpu.vector_store %arg10[%swap3A_229], %swap3A_232 {strides = array<i32>} : memref<5120xi32, #tpu.memory_space<vmem>>, vector<16xi32>,
    %broadcast_in_dim3A_233 = arith.constant 0 : i32
    %broadcast_in_dim3A_234 = vector.broadcast %broadcast_in_dim3A_233 : i32 to vector<16xi32>
    %swap3A_235 = arith.constant 5040 : index
    %swap3A_236 = tpu.vector_load %arg9[%swap3A_235] {strides = array<i32>} : memref<5120xi32, #tpu.memory_space<vmem>>, vector<16xi32>,
    %swap3A_237 = vector.shape_cast %swap3A_236 : vector<16xi32> to vector<16xi32>
    %swap3A_238 = vector.shape_cast %broadcast_in_dim3A_234 : vector<16xi32> to vector<16xi32>
    tpu.vector_store %arg9[%swap3A_235], %swap3A_238 {strides = array<i32>} : memref<5120xi32, #tpu.memory_space<vmem>>, vector<16xi32>,
    %broadcast_in_dim3A_239 = arith.constant 10000 : i32
    %broadcast_in_dim3A_240 = vector.broadcast %broadcast_in_dim3A_239 : i32 to vector<16xi32>
    %swap3A_241 = arith.constant 5040 : index
    %swap3A_242 = tpu.vector_load %arg10[%swap3A_241] {strides = array<i32>} : memref<5120xi32, #tpu.memory_space<vmem>>, vector<16xi32>,
    %swap3A_243 = vector.shape_cast %swap3A_242 : vector<16xi32> to vector<16xi32>
    %swap3A_244 = vector.shape_cast %broadcast_in_dim3A_240 : vector<16xi32> to vector<16xi32>
    tpu.vector_store %arg10[%swap3A_241], %swap3A_244 {strides = array<i32>} : memref<5120xi32, #tpu.memory_space<vmem>>, vector<16xi32>,
    %broadcast_in_dim3A_245 = arith.constant 0 : i32
    %broadcast_in_dim3A_246 = vector.broadcast %broadcast_in_dim3A_245 : i32 to vector<16xi32>
    %swap3A_247 = arith.constant 5056 : index
    %swap3A_248 = tpu.vector_load %arg9[%swap3A_247] {strides = array<i32>} : memref<5120xi32, #tpu.memory_space<vmem>>, vector<16xi32>,
    %swap3A_249 = vector.shape_cast %swap3A_248 : vector<16xi32> to vector<16xi32>
    %swap3A_250 = vector.shape_cast %broadcast_in_dim3A_246 : vector<16xi32> to vector<16xi32>
    tpu.vector_store %arg9[%swap3A_247], %swap3A_250 {strides = array<i32>} : memref<5120xi32, #tpu.memory_space<vmem>>, vector<16xi32>,
    %broadcast_in_dim3A_251 = arith.constant 10000 : i32
    %broadcast_in_dim3A_252 = vector.broadcast %broadcast_in_dim3A_251 : i32 to vector<16xi32>
    %swap3A_253 = arith.constant 5056 : index
    %swap3A_254 = tpu.vector_load %arg10[%swap3A_253] {strides = array<i32>} : memref<5120xi32, #tpu.memory_space<vmem>>, vector<16xi32>,
    %swap3A_255 = vector.shape_cast %swap3A_254 : vector<16xi32> to vector<16xi32>
    %swap3A_256 = vector.shape_cast %broadcast_in_dim3A_252 : vector<16xi32> to vector<16xi32>
    tpu.vector_store %arg10[%swap3A_253], %swap3A_256 {strides = array<i32>} : memref<5120xi32, #tpu.memory_space<vmem>>, vector<16xi32>,
    %broadcast_in_dim3A_257 = arith.constant 0 : i32
    %broadcast_in_dim3A_258 = vector.broadcast %broadcast_in_dim3A_257 : i32 to vector<16xi32>
    %swap3A_259 = arith.constant 5072 : index
    %swap3A_260 = tpu.vector_load %arg9[%swap3A_259] {strides = array<i32>} : memref<5120xi32, #tpu.memory_space<vmem>>, vector<16xi32>,
    %swap3A_261 = vector.shape_cast %swap3A_260 : vector<16xi32> to vector<16xi32>
    %swap3A_262 = vector.shape_cast %broadcast_in_dim3A_258 : vector<16xi32> to vector<16xi32>
    tpu.vector_store %arg9[%swap3A_259], %swap3A_262 {strides = array<i32>} : memref<5120xi32, #tpu.memory_space<vmem>>, vector<16xi32>,
    %broadcast_in_dim3A_263 = arith.constant 10000 : i32
    %broadcast_in_dim3A_264 = vector.broadcast %broadcast_in_dim3A_263 : i32 to vector<16xi32>
    %swap3A_265 = arith.constant 5072 : index
    %swap3A_266 = tpu.vector_load %arg10[%swap3A_265] {strides = array<i32>} : memref<5120xi32, #tpu.memory_space<vmem>>, vector<16xi32>,
    %swap3A_267 = vector.shape_cast %swap3A_266 : vector<16xi32> to vector<16xi32>
    %swap3A_268 = vector.shape_cast %broadcast_in_dim3A_264 : vector<16xi32> to vector<16xi32>
    tpu.vector_store %arg10[%swap3A_265], %swap3A_268 {strides = array<i32>} : memref<5120xi32, #tpu.memory_space<vmem>>, vector<16xi32>,
    %broadcast_in_dim3A_269 = arith.constant 0 : i32
    %broadcast_in_dim3A_270 = vector.broadcast %broadcast_in_dim3A_269 : i32 to vector<16xi32>
    %swap3A_271 = arith.constant 5088 : index
    %swap3A_272 = tpu.vector_load %arg9[%swap3A_271] {strides = array<i32>} : memref<5120xi32, #tpu.memory_space<vmem>>, vector<16xi32>,
    %swap3A_273 = vector.shape_cast %swap3A_272 : vector<16xi32> to vector<16xi32>
    %swap3A_274 = vector.shape_cast %broadcast_in_dim3A_270 : vector<16xi32> to vector<16xi32>
    tpu.vector_store %arg9[%swap3A_271], %swap3A_274 {strides = array<i32>} : memref<5120xi32, #tpu.memory_space<vmem>>, vector<16xi32>,
    %broadcast_in_dim3A_275 = arith.constant 10000 : i32
    %broadcast_in_dim3A_276 = vector.broadcast %broadcast_in_dim3A_275 : i32 to vector<16xi32>
    %swap3A_277 = arith.constant 5088 : index
    %swap3A_278 = tpu.vector_load %arg10[%swap3A_277] {strides = array<i32>} : memref<5120xi32, #tpu.memory_space<vmem>>, vector<16xi32>,
    %swap3A_279 = vector.shape_cast %swap3A_278 : vector<16xi32> to vector<16xi32>
    %swap3A_280 = vector.shape_cast %broadcast_in_dim3A_276 : vector<16xi32> to vector<16xi32>
    tpu.vector_store %arg10[%swap3A_277], %swap3A_280 {strides = array<i32>} : memref<5120xi32, #tpu.memory_space<vmem>>, vector<16xi32>,
    %broadcast_in_dim3A_281 = arith.constant 0 : i32
    %broadcast_in_dim3A_282 = vector.broadcast %broadcast_in_dim3A_281 : i32 to vector<16xi32>
    %swap3A_283 = arith.constant 5104 : index
    %swap3A_284 = tpu.vector_load %arg9[%swap3A_283] {strides = array<i32>} : memref<5120xi32, #tpu.memory_space<vmem>>, vector<16xi32>,
    %swap3A_285 = vector.shape_cast %swap3A_284 : vector<16xi32> to vector<16xi32>
    %swap3A_286 = vector.shape_cast %broadcast_in_dim3A_282 : vector<16xi32> to vector<16xi32>
    tpu.vector_store %arg9[%swap3A_283], %swap3A_286 {strides = array<i32>} : memref<5120xi32, #tpu.memory_space<vmem>>, vector<16xi32>,
    %broadcast_in_dim3A_287 = arith.constant 10000 : i32
    %broadcast_in_dim3A_288 = vector.broadcast %broadcast_in_dim3A_287 : i32 to vector<16xi32>
    %swap3A_289 = arith.constant 5104 : index
    %swap3A_290 = tpu.vector_load %arg10[%swap3A_289] {strides = array<i32>} : memref<5120xi32, #tpu.memory_space<vmem>>, vector<16xi32>,
    %swap3A_291 = vector.shape_cast %swap3A_290 : vector<16xi32> to vector<16xi32>
    %swap3A_292 = vector.shape_cast %broadcast_in_dim3A_288 : vector<16xi32> to vector<16xi32>
    tpu.vector_store %arg10[%swap3A_289], %swap3A_292 {strides = array<i32>} : memref<5120xi32, #tpu.memory_space<vmem>>, vector<16xi32>,
    %eq3A_293 = arith.constant 0 : i32
    %eq3A_294 = arith.cmpi eq, %arg0, %eq3A_293 : i32
    %convert_element_type3A_295 = arith.extui %eq3A_294 : i1 to i32
    %cond3A_296 = arith.constant 0 : i32
    %cond3A_297 = arith.cmpi ne, %convert_element_type3A_295, %cond3A_296 : i32
    scf.if %cond3A_297 {
      %mul3A_383 = arith.constant 5000 : i32
      %mul3A_384 = arith.muli %arg1, %mul3A_383 : i32
      %run_scoped3A = arith.constant 0 : i32
      "tpu.region"() ({
        %run_scoped3A_388 = tpu.sem_alloc : memref<!tpu.dma_semaphore, #tpu.memory_space<semaphore_mem>>
        %dma_start3A_389 = arith.constant 0 : i32
        %dma_start3A_390 = tpu.memref_slice %arg9[%dma_start3A_389] : memref<5120xi32, #tpu.memory_space<vmem>> -> memref<5000xi32, #tpu.memory_space<vmem>>
        %dma_start3A_391 = arith.constant 0 : i32
        %dma_start3A_392 = tpu.memref_slice %arg4[%run_scoped3A, %dma_start3A_391] : memref<2x80000xi32, #tpu.memory_space<hbm>> -> memref<1x80000xi32, #tpu.memory_space<hbm>>
        %dma_start3A_393 = tpu.memref_squeeze %dma_start3A_392 : memref<1x80000xi32, #tpu.memory_space<hbm>> -> memref<80000xi32, #tpu.memory_space<hbm>>
        %dma_start3A_394 = tpu.memref_slice %dma_start3A_393[%mul3A_384] : memref<80000xi32, #tpu.memory_space<hbm>> -> memref<5000xi32, #tpu.memory_space<hbm>>
        %dma_start3A_395 = arith.constant 0 : i32
        %dma_start3A_396 = tpu.memref_slice %arg9[%dma_start3A_395] : memref<5120xi32, #tpu.memory_space<vmem>> -> memref<5000xi32, #tpu.memory_space<vmem>>
        %dma_start3A_397 = arith.constant 0 : i32
        %dma_start3A_398 = tpu.memref_slice %arg4[%run_scoped3A, %dma_start3A_397] : memref<2x80000xi32, #tpu.memory_space<hbm>> -> memref<1x80000xi32, #tpu.memory_space<hbm>>
        %dma_start3A_399 = tpu.memref_squeeze %dma_start3A_398 : memref<1x80000xi32, #tpu.memory_space<hbm>> -> memref<80000xi32, #tpu.memory_space<hbm>>
        %dma_start3A_400 = tpu.memref_slice %dma_start3A_399[%mul3A_384] : memref<80000xi32, #tpu.memory_space<hbm>> -> memref<5000xi32, #tpu.memory_space<hbm>>
        tpu.enqueue_dma source(%dma_start3A_400 : memref<5000xi32, #tpu.memory_space<hbm>>) target(%dma_start3A_396 : memref<5000xi32, #tpu.memory_space<vmem>>) target_semaphore(%run_scoped3A_388 : memref<!tpu.dma_semaphore, #tpu.memory_space<semaphore_mem>>)
        %dma_wait3A_401 = arith.constant 0 : i32
        %dma_wait3A_402 = tpu.memref_slice %arg9[%dma_wait3A_401] : memref<5120xi32, #tpu.memory_space<vmem>> -> memref<5000xi32, #tpu.memory_space<vmem>>
        %dma_wait3A_403 = arith.constant 0 : i32
        %dma_wait3A_404 = tpu.memref_slice %arg4[%run_scoped3A, %dma_wait3A_403] : memref<2x80000xi32, #tpu.memory_space<hbm>> -> memref<1x80000xi32, #tpu.memory_space<hbm>>
        %dma_wait3A_405 = tpu.memref_squeeze %dma_wait3A_404 : memref<1x80000xi32, #tpu.memory_space<hbm>> -> memref<80000xi32, #tpu.memory_space<hbm>>
        %dma_wait3A_406 = tpu.memref_slice %dma_wait3A_405[%mul3A_384] : memref<80000xi32, #tpu.memory_space<hbm>> -> memref<5000xi32, #tpu.memory_space<hbm>>
        %dma_wait3A_407 = arith.constant 0 : i32
        %dma_wait3A_408 = tpu.memref_slice %arg9[%dma_wait3A_407] : memref<5120xi32, #tpu.memory_space<vmem>> -> memref<5000xi32, #tpu.memory_space<vmem>>
        %dma_wait3A_409 = arith.constant 0 : i32
        %dma_wait3A_410 = tpu.memref_slice %arg4[%run_scoped3A, %dma_wait3A_409] : memref<2x80000xi32, #tpu.memory_space<hbm>> -> memref<1x80000xi32, #tpu.memory_space<hbm>>
        %dma_wait3A_411 = tpu.memref_squeeze %dma_wait3A_410 : memref<1x80000xi32, #tpu.memory_space<hbm>> -> memref<80000xi32, #tpu.memory_space<hbm>>
        %dma_wait3A_412 = tpu.memref_slice %dma_wait3A_411[%mul3A_384] : memref<80000xi32, #tpu.memory_space<hbm>> -> memref<5000xi32, #tpu.memory_space<hbm>>
        tpu.wait_dma2 semaphore(%run_scoped3A_388 : memref<!tpu.dma_semaphore, #tpu.memory_space<semaphore_mem>>) src(%dma_wait3A_412 : memref<5000xi32, #tpu.memory_space<hbm>>) dst(%dma_wait3A_408 : memref<5000xi32, #tpu.memory_space<vmem>>)
        tpu.yield
      }) : () -> ()
      %mul3A_385 = arith.constant 5000 : i32
      %mul3A_386 = arith.muli %arg1, %mul3A_385 : i32
      %run_scoped3A_387 = arith.constant 1 : i32
      "tpu.region"() ({
        %run_scoped3A_388 = tpu.sem_alloc : memref<!tpu.dma_semaphore, #tpu.memory_space<semaphore_mem>>
        %dma_start3A_389 = arith.constant 0 : i32
        %dma_start3A_390 = tpu.memref_slice %arg10[%dma_start3A_389] : memref<5120xi32, #tpu.memory_space<vmem>> -> memref<5000xi32, #tpu.memory_space<vmem>>
        %dma_start3A_391 = arith.constant 0 : i32
        %dma_start3A_392 = tpu.memref_slice %arg4[%run_scoped3A_387, %dma_start3A_391] : memref<2x80000xi32, #tpu.memory_space<hbm>> -> memref<1x80000xi32, #tpu.memory_space<hbm>>
        %dma_start3A_393 = tpu.memref_squeeze %dma_start3A_392 : memref<1x80000xi32, #tpu.memory_space<hbm>> -> memref<80000xi32, #tpu.memory_space<hbm>>
        %dma_start3A_394 = tpu.memref_slice %dma_start3A_393[%mul3A_386] : memref<80000xi32, #tpu.memory_space<hbm>> -> memref<5000xi32, #tpu.memory_space<hbm>>
        %dma_start3A_395 = arith.constant 0 : i32
        %dma_start3A_396 = tpu.memref_slice %arg10[%dma_start3A_395] : memref<5120xi32, #tpu.memory_space<vmem>> -> memref<5000xi32, #tpu.memory_space<vmem>>
        %dma_start3A_397 = arith.constant 0 : i32
        %dma_start3A_398 = tpu.memref_slice %arg4[%run_scoped3A_387, %dma_start3A_397] : memref<2x80000xi32, #tpu.memory_space<hbm>> -> memref<1x80000xi32, #tpu.memory_space<hbm>>
        %dma_start3A_399 = tpu.memref_squeeze %dma_start3A_398 : memref<1x80000xi32, #tpu.memory_space<hbm>> -> memref<80000xi32, #tpu.memory_space<hbm>>
        %dma_start3A_400 = tpu.memref_slice %dma_start3A_399[%mul3A_386] : memref<80000xi32, #tpu.memory_space<hbm>> -> memref<5000xi32, #tpu.memory_space<hbm>>
        tpu.enqueue_dma source(%dma_start3A_400 : memref<5000xi32, #tpu.memory_space<hbm>>) target(%dma_start3A_396 : memref<5000xi32, #tpu.memory_space<vmem>>) target_semaphore(%run_scoped3A_388 : memref<!tpu.dma_semaphore, #tpu.memory_space<semaphore_mem>>)
        %dma_wait3A_401 = arith.constant 0 : i32
        %dma_wait3A_402 = tpu.memref_slice %arg10[%dma_wait3A_401] : memref<5120xi32, #tpu.memory_space<vmem>> -> memref<5000xi32, #tpu.memory_space<vmem>>
        %dma_wait3A_403 = arith.constant 0 : i32
        %dma_wait3A_404 = tpu.memref_slice %arg4[%run_scoped3A_387, %dma_wait3A_403] : memref<2x80000xi32, #tpu.memory_space<hbm>> -> memref<1x80000xi32, #tpu.memory_space<hbm>>
        %dma_wait3A_405 = tpu.memref_squeeze %dma_wait3A_404 : memref<1x80000xi32, #tpu.memory_space<hbm>> -> memref<80000xi32, #tpu.memory_space<hbm>>
        %dma_wait3A_406 = tpu.memref_slice %dma_wait3A_405[%mul3A_386] : memref<80000xi32, #tpu.memory_space<hbm>> -> memref<5000xi32, #tpu.memory_space<hbm>>
        %dma_wait3A_407 = arith.constant 0 : i32
        %dma_wait3A_408 = tpu.memref_slice %arg10[%dma_wait3A_407] : memref<5120xi32, #tpu.memory_space<vmem>> -> memref<5000xi32, #tpu.memory_space<vmem>>
        %dma_wait3A_409 = arith.constant 0 : i32
        %dma_wait3A_410 = tpu.memref_slice %arg4[%run_scoped3A_387, %dma_wait3A_409] : memref<2x80000xi32, #tpu.memory_space<hbm>> -> memref<1x80000xi32, #tpu.memory_space<hbm>>
        %dma_wait3A_411 = tpu.memref_squeeze %dma_wait3A_410 : memref<1x80000xi32, #tpu.memory_space<hbm>> -> memref<80000xi32, #tpu.memory_space<hbm>>
        %dma_wait3A_412 = tpu.memref_slice %dma_wait3A_411[%mul3A_386] : memref<80000xi32, #tpu.memory_space<hbm>> -> memref<5000xi32, #tpu.memory_space<hbm>>
        tpu.wait_dma2 semaphore(%run_scoped3A_388 : memref<!tpu.dma_semaphore, #tpu.memory_space<semaphore_mem>>) src(%dma_wait3A_412 : memref<5000xi32, #tpu.memory_space<hbm>>) dst(%dma_wait3A_408 : memref<5000xi32, #tpu.memory_space<vmem>>)
        tpu.yield
      }) : () -> ()
    } else {
    }
    %eq3A_298 = arith.constant 1 : i32
    %eq3A_299 = arith.cmpi eq, %arg0, %eq3A_298 : i32
    %convert_element_type3A_300 = arith.extui %eq3A_299 : i1 to i32
    %cond3A_301 = arith.constant 0 : i32
    %cond3A_302 = arith.cmpi ne, %convert_element_type3A_300, %cond3A_301 : i32
    scf.if %cond3A_302 {
      %mul3A_383 = arith.constant 5000 : i32
      %mul3A_384 = arith.muli %arg1, %mul3A_383 : i32
      %run_scoped3A = arith.constant 0 : i32
      "tpu.region"() ({
        %run_scoped3A_388 = tpu.sem_alloc : memref<!tpu.dma_semaphore, #tpu.memory_space<semaphore_mem>>
        %dma_start3A_389 = arith.constant 0 : i32
        %dma_start3A_390 = tpu.memref_slice %arg9[%dma_start3A_389] : memref<5120xi32, #tpu.memory_space<vmem>> -> memref<5000xi32, #tpu.memory_space<vmem>>
        %dma_start3A_391 = arith.constant 0 : i32
        %dma_start3A_392 = tpu.memref_slice %arg6[%run_scoped3A, %dma_start3A_391] : memref<2x80000xi32, #tpu.memory_space<hbm>> -> memref<1x80000xi32, #tpu.memory_space<hbm>>
        %dma_start3A_393 = tpu.memref_squeeze %dma_start3A_392 : memref<1x80000xi32, #tpu.memory_space<hbm>> -> memref<80000xi32, #tpu.memory_space<hbm>>
        %dma_start3A_394 = tpu.memref_slice %dma_start3A_393[%mul3A_384] : memref<80000xi32, #tpu.memory_space<hbm>> -> memref<5000xi32, #tpu.memory_space<hbm>>
        %dma_start3A_395 = arith.constant 0 : i32
        %dma_start3A_396 = tpu.memref_slice %arg9[%dma_start3A_395] : memref<5120xi32, #tpu.memory_space<vmem>> -> memref<5000xi32, #tpu.memory_space<vmem>>
        %dma_start3A_397 = arith.constant 0 : i32
        %dma_start3A_398 = tpu.memref_slice %arg6[%run_scoped3A, %dma_start3A_397] : memref<2x80000xi32, #tpu.memory_space<hbm>> -> memref<1x80000xi32, #tpu.memory_space<hbm>>
        %dma_start3A_399 = tpu.memref_squeeze %dma_start3A_398 : memref<1x80000xi32, #tpu.memory_space<hbm>> -> memref<80000xi32, #tpu.memory_space<hbm>>
        %dma_start3A_400 = tpu.memref_slice %dma_start3A_399[%mul3A_384] : memref<80000xi32, #tpu.memory_space<hbm>> -> memref<5000xi32, #tpu.memory_space<hbm>>
        tpu.enqueue_dma source(%dma_start3A_400 : memref<5000xi32, #tpu.memory_space<hbm>>) target(%dma_start3A_396 : memref<5000xi32, #tpu.memory_space<vmem>>) target_semaphore(%run_scoped3A_388 : memref<!tpu.dma_semaphore, #tpu.memory_space<semaphore_mem>>)
        %dma_wait3A_401 = arith.constant 0 : i32
        %dma_wait3A_402 = tpu.memref_slice %arg9[%dma_wait3A_401] : memref<5120xi32, #tpu.memory_space<vmem>> -> memref<5000xi32, #tpu.memory_space<vmem>>
        %dma_wait3A_403 = arith.constant 0 : i32
        %dma_wait3A_404 = tpu.memref_slice %arg6[%run_scoped3A, %dma_wait3A_403] : memref<2x80000xi32, #tpu.memory_space<hbm>> -> memref<1x80000xi32, #tpu.memory_space<hbm>>
        %dma_wait3A_405 = tpu.memref_squeeze %dma_wait3A_404 : memref<1x80000xi32, #tpu.memory_space<hbm>> -> memref<80000xi32, #tpu.memory_space<hbm>>
        %dma_wait3A_406 = tpu.memref_slice %dma_wait3A_405[%mul3A_384] : memref<80000xi32, #tpu.memory_space<hbm>> -> memref<5000xi32, #tpu.memory_space<hbm>>
        %dma_wait3A_407 = arith.constant 0 : i32
        %dma_wait3A_408 = tpu.memref_slice %arg9[%dma_wait3A_407] : memref<5120xi32, #tpu.memory_space<vmem>> -> memref<5000xi32, #tpu.memory_space<vmem>>
        %dma_wait3A_409 = arith.constant 0 : i32
        %dma_wait3A_410 = tpu.memref_slice %arg6[%run_scoped3A, %dma_wait3A_409] : memref<2x80000xi32, #tpu.memory_space<hbm>> -> memref<1x80000xi32, #tpu.memory_space<hbm>>
        %dma_wait3A_411 = tpu.memref_squeeze %dma_wait3A_410 : memref<1x80000xi32, #tpu.memory_space<hbm>> -> memref<80000xi32, #tpu.memory_space<hbm>>
        %dma_wait3A_412 = tpu.memref_slice %dma_wait3A_411[%mul3A_384] : memref<80000xi32, #tpu.memory_space<hbm>> -> memref<5000xi32, #tpu.memory_space<hbm>>
        tpu.wait_dma2 semaphore(%run_scoped3A_388 : memref<!tpu.dma_semaphore, #tpu.memory_space<semaphore_mem>>) src(%dma_wait3A_412 : memref<5000xi32, #tpu.memory_space<hbm>>) dst(%dma_wait3A_408 : memref<5000xi32, #tpu.memory_space<vmem>>)
        tpu.yield
      }) : () -> ()
      %mul3A_385 = arith.constant 5000 : i32
      %mul3A_386 = arith.muli %arg1, %mul3A_385 : i32
      %run_scoped3A_387 = arith.constant 1 : i32
      "tpu.region"() ({
        %run_scoped3A_388 = tpu.sem_alloc : memref<!tpu.dma_semaphore, #tpu.memory_space<semaphore_mem>>
        %dma_start3A_389 = arith.constant 0 : i32
        %dma_start3A_390 = tpu.memref_slice %arg10[%dma_start3A_389] : memref<5120xi32, #tpu.memory_space<vmem>> -> memref<5000xi32, #tpu.memory_space<vmem>>
        %dma_start3A_391 = arith.constant 0 : i32
        %dma_start3A_392 = tpu.memref_slice %arg6[%run_scoped3A_387, %dma_start3A_391] : memref<2x80000xi32, #tpu.memory_space<hbm>> -> memref<1x80000xi32, #tpu.memory_space<hbm>>
        %dma_start3A_393 = tpu.memref_squeeze %dma_start3A_392 : memref<1x80000xi32, #tpu.memory_space<hbm>> -> memref<80000xi32, #tpu.memory_space<hbm>>
        %dma_start3A_394 = tpu.memref_slice %dma_start3A_393[%mul3A_386] : memref<80000xi32, #tpu.memory_space<hbm>> -> memref<5000xi32, #tpu.memory_space<hbm>>
        %dma_start3A_395 = arith.constant 0 : i32
        %dma_start3A_396 = tpu.memref_slice %arg10[%dma_start3A_395] : memref<5120xi32, #tpu.memory_space<vmem>> -> memref<5000xi32, #tpu.memory_space<vmem>>
        %dma_start3A_397 = arith.constant 0 : i32
        %dma_start3A_398 = tpu.memref_slice %arg6[%run_scoped3A_387, %dma_start3A_397] : memref<2x80000xi32, #tpu.memory_space<hbm>> -> memref<1x80000xi32, #tpu.memory_space<hbm>>
        %dma_start3A_399 = tpu.memref_squeeze %dma_start3A_398 : memref<1x80000xi32, #tpu.memory_space<hbm>> -> memref<80000xi32, #tpu.memory_space<hbm>>
        %dma_start3A_400 = tpu.memref_slice %dma_start3A_399[%mul3A_386] : memref<80000xi32, #tpu.memory_space<hbm>> -> memref<5000xi32, #tpu.memory_space<hbm>>
        tpu.enqueue_dma source(%dma_start3A_400 : memref<5000xi32, #tpu.memory_space<hbm>>) target(%dma_start3A_396 : memref<5000xi32, #tpu.memory_space<vmem>>) target_semaphore(%run_scoped3A_388 : memref<!tpu.dma_semaphore, #tpu.memory_space<semaphore_mem>>)
        %dma_wait3A_401 = arith.constant 0 : i32
        %dma_wait3A_402 = tpu.memref_slice %arg10[%dma_wait3A_401] : memref<5120xi32, #tpu.memory_space<vmem>> -> memref<5000xi32, #tpu.memory_space<vmem>>
        %dma_wait3A_403 = arith.constant 0 : i32
        %dma_wait3A_404 = tpu.memref_slice %arg6[%run_scoped3A_387, %dma_wait3A_403] : memref<2x80000xi32, #tpu.memory_space<hbm>> -> memref<1x80000xi32, #tpu.memory_space<hbm>>
        %dma_wait3A_405 = tpu.memref_squeeze %dma_wait3A_404 : memref<1x80000xi32, #tpu.memory_space<hbm>> -> memref<80000xi32, #tpu.memory_space<hbm>>
        %dma_wait3A_406 = tpu.memref_slice %dma_wait3A_405[%mul3A_386] : memref<80000xi32, #tpu.memory_space<hbm>> -> memref<5000xi32, #tpu.memory_space<hbm>>
        %dma_wait3A_407 = arith.constant 0 : i32
        %dma_wait3A_408 = tpu.memref_slice %arg10[%dma_wait3A_407] : memref<5120xi32, #tpu.memory_space<vmem>> -> memref<5000xi32, #tpu.memory_space<vmem>>
        %dma_wait3A_409 = arith.constant 0 : i32
        %dma_wait3A_410 = tpu.memref_slice %arg6[%run_scoped3A_387, %dma_wait3A_409] : memref<2x80000xi32, #tpu.memory_space<hbm>> -> memref<1x80000xi32, #tpu.memory_space<hbm>>
        %dma_wait3A_411 = tpu.memref_squeeze %dma_wait3A_410 : memref<1x80000xi32, #tpu.memory_space<hbm>> -> memref<80000xi32, #tpu.memory_space<hbm>>
        %dma_wait3A_412 = tpu.memref_slice %dma_wait3A_411[%mul3A_386] : memref<80000xi32, #tpu.memory_space<hbm>> -> memref<5000xi32, #tpu.memory_space<hbm>>
        tpu.wait_dma2 semaphore(%run_scoped3A_388 : memref<!tpu.dma_semaphore, #tpu.memory_space<semaphore_mem>>) src(%dma_wait3A_412 : memref<5000xi32, #tpu.memory_space<hbm>>) dst(%dma_wait3A_408 : memref<5000xi32, #tpu.memory_space<vmem>>)
        tpu.yield
      }) : () -> ()
    } else {
    }
    %barrier3A_303 = arith.constant 0 : index
    tpu.barrier barrier_id(%barrier3A_303)
    %dma_start3A_304 = arith.constant 0 : i32
    %dma_start3A_305 = arith.constant 0 : i32
    %dma_start3A_306 = arith.constant 0 : i32
    %dma_start3A_307 = tpu.memref_slice %arg11[%dma_start3A_304, %dma_start3A_305, %dma_start3A_306] : memref<4x128x128xbf16, #tpu.memory_space<vmem>> -> memref<1x128x128xbf16, #tpu.memory_space<vmem>>
    %dma_start3A_308 = tpu.memref_squeeze %dma_start3A_307 : memref<1x128x128xbf16, #tpu.memory_space<vmem>> -> memref<128x128xbf16, #tpu.memory_space<vmem>>
    %dma_start3A_309 = arith.constant 0 : i32
    %dma_start3A_310 = tpu.memref_slice %arg9[%dma_start3A_309] : memref<5120xi32, #tpu.memory_space<vmem>> -> memref<128xi32, #tpu.memory_space<vmem>>
    %dma_start3A_311 = arith.constant 0 : i32
    %dma_start3A_312 = arith.constant 0 : i32
    %dma_start3A_313 = tpu.memref_slice %arg13[%dma_start3A_311, %dma_start3A_312] : memref<10000x128xbf16, #tpu.memory_space<vmem_shared>> -> memref<10000x128xbf16, #tpu.memory_space<vmem_shared>>
    tpu.enqueue_indirect_dma source(%dma_start3A_313 : memref<10000x128xbf16, #tpu.memory_space<vmem_shared>>) target(%dma_start3A_308 : memref<128x128xbf16, #tpu.memory_space<vmem>>) offsets(%dma_start3A_310 : memref<128xi32, #tpu.memory_space<vmem>>) semaphore(%arg14 : memref<!tpu.dma_semaphore, #tpu.memory_space<semaphore_mem>>)
    %dma_start3A_314 = arith.constant 1 : i32
    %dma_start3A_315 = arith.constant 0 : i32
    %dma_start3A_316 = arith.constant 0 : i32
    %dma_start3A_317 = tpu.memref_slice %arg11[%dma_start3A_314, %dma_start3A_315, %dma_start3A_316] : memref<4x128x128xbf16, #tpu.memory_space<vmem>> -> memref<1x128x128xbf16, #tpu.memory_space<vmem>>
    %dma_start3A_318 = tpu.memref_squeeze %dma_start3A_317 : memref<1x128x128xbf16, #tpu.memory_space<vmem>> -> memref<128x128xbf16, #tpu.memory_space<vmem>>
    %dma_start3A_319 = arith.constant 128 : i32
    %dma_start3A_320 = tpu.memref_slice %arg9[%dma_start3A_319] : memref<5120xi32, #tpu.memory_space<vmem>> -> memref<128xi32, #tpu.memory_space<vmem>>
    %dma_start3A_321 = arith.constant 0 : i32
    %dma_start3A_322 = arith.constant 0 : i32
    %dma_start3A_323 = tpu.memref_slice %arg13[%dma_start3A_321, %dma_start3A_322] : memref<10000x128xbf16, #tpu.memory_space<vmem_shared>> -> memref<10000x128xbf16, #tpu.memory_space<vmem_shared>>
    tpu.enqueue_indirect_dma source(%dma_start3A_323 : memref<10000x128xbf16, #tpu.memory_space<vmem_shared>>) target(%dma_start3A_318 : memref<128x128xbf16, #tpu.memory_space<vmem>>) offsets(%dma_start3A_320 : memref<128xi32, #tpu.memory_space<vmem>>) semaphore(%arg15 : memref<!tpu.dma_semaphore, #tpu.memory_space<semaphore_mem>>)
    %dma_start3A_324 = arith.constant 2 : i32
    %dma_start3A_325 = arith.constant 0 : i32
    %dma_start3A_326 = arith.constant 0 : i32
    %dma_start3A_327 = tpu.memref_slice %arg11[%dma_start3A_324, %dma_start3A_325, %dma_start3A_326] : memref<4x128x128xbf16, #tpu.memory_space<vmem>> -> memref<1x128x128xbf16, #tpu.memory_space<vmem>>
    %dma_start3A_328 = tpu.memref_squeeze %dma_start3A_327 : memref<1x128x128xbf16, #tpu.memory_space<vmem>> -> memref<128x128xbf16, #tpu.memory_space<vmem>>
    %dma_start3A_329 = arith.constant 256 : i32
    %dma_start3A_330 = tpu.memref_slice %arg9[%dma_start3A_329] : memref<5120xi32, #tpu.memory_space<vmem>> -> memref<128xi32, #tpu.memory_space<vmem>>
    %dma_start3A_331 = arith.constant 0 : i32
    %dma_start3A_332 = arith.constant 0 : i32
    %dma_start3A_333 = tpu.memref_slice %arg13[%dma_start3A_331, %dma_start3A_332] : memref<10000x128xbf16, #tpu.memory_space<vmem_shared>> -> memref<10000x128xbf16, #tpu.memory_space<vmem_shared>>
    tpu.enqueue_indirect_dma source(%dma_start3A_333 : memref<10000x128xbf16, #tpu.memory_space<vmem_shared>>) target(%dma_start3A_328 : memref<128x128xbf16, #tpu.memory_space<vmem>>) offsets(%dma_start3A_330 : memref<128xi32, #tpu.memory_space<vmem>>) semaphore(%arg16 : memref<!tpu.dma_semaphore, #tpu.memory_space<semaphore_mem>>)
    %scan3A_334 = arith.constant 0 : i32
    %scan3A_335 = arith.constant 0 : i32
    %scan3A_336 = arith.constant 10 : i32
    %scan3A_337 = arith.addi %scan3A_335, %scan3A_336 : i32
    %scan3A_338 = arith.constant 1 : i32
    scf.for %scan3A_383 = %scan3A_335 to %scan3A_337 step %scan3A_338  : i32 {
      %mul3A_384 = arith.constant 4 : i32
      %mul3A_385 = arith.muli %mul3A_384, %scan3A_383 : i32
      %add3A_386 = arith.constant 0 : i32
      %add3A_387 = arith.addi %mul3A_385, %add3A_386 : i32
      %mul3A_388 = arith.constant 128 : i32
      %mul3A_389 = arith.muli %add3A_387, %mul3A_388 : i32
      %dma_wait3A_390 = arith.constant 0 : i32
      %dma_wait3A_391 = arith.constant 0 : i32
      %dma_wait3A_392 = arith.constant 0 : i32
      %dma_wait3A_393 = tpu.memref_slice %arg11[%dma_wait3A_390, %dma_wait3A_391, %dma_wait3A_392] : memref<4x128x128xbf16, #tpu.memory_space<vmem>> -> memref<1x128x128xbf16, #tpu.memory_space<vmem>>
      %dma_wait3A_394 = tpu.memref_squeeze %dma_wait3A_393 : memref<1x128x128xbf16, #tpu.memory_space<vmem>> -> memref<128x128xbf16, #tpu.memory_space<vmem>>
      %dma_wait3A_395 = tpu.memref_slice %arg9[%mul3A_389] : memref<5120xi32, #tpu.memory_space<vmem>> -> memref<128xi32, #tpu.memory_space<vmem>>
      %dma_wait3A_396 = arith.constant 0 : i32
      %dma_wait3A_397 = arith.constant 0 : i32
      %dma_wait3A_398 = tpu.memref_slice %arg13[%dma_wait3A_396, %dma_wait3A_397] : memref<10000x128xbf16, #tpu.memory_space<vmem_shared>> -> memref<10000x128xbf16, #tpu.memory_space<vmem_shared>>
      tpu.wait_indirect_dma semaphore(%arg14 : memref<!tpu.dma_semaphore, #tpu.memory_space<semaphore_mem>>) src(%dma_wait3A_398 : memref<10000x128xbf16, #tpu.memory_space<vmem_shared>>) dst(%dma_wait3A_394 : memref<128x128xbf16, #tpu.memory_space<vmem>>)
      %mul3A_399 = arith.constant 128 : i32
      %mul3A_400 = arith.muli %add3A_387, %mul3A_399 : i32
      %dma_start3A_401 = arith.constant 0 : i32
      %dma_start3A_402 = arith.constant 0 : i32
      %dma_start3A_403 = arith.constant 0 : i32
      %dma_start3A_404 = tpu.memref_slice %arg11[%dma_start3A_401, %dma_start3A_402, %dma_start3A_403] : memref<4x128x128xbf16, #tpu.memory_space<vmem>> -> memref<1x128x128xbf16, #tpu.memory_space<vmem>>
      %dma_start3A_405 = tpu.memref_squeeze %dma_start3A_404 : memref<1x128x128xbf16, #tpu.memory_space<vmem>> -> memref<128x128xbf16, #tpu.memory_space<vmem>>
      %dma_start3A_406 = tpu.memref_slice %arg10[%mul3A_400] : memref<5120xi32, #tpu.memory_space<vmem>> -> memref<128xi32, #tpu.memory_space<vmem>>
      %dma_start3A_407 = arith.constant 0 : i32
      %dma_start3A_408 = arith.constant 0 : i32
      %dma_start3A_409 = tpu.memref_slice %arg12[%dma_start3A_407, %dma_start3A_408] : memref<10240x128xbf16, #tpu.memory_space<vmem_shared>> -> memref<10240x128xbf16, #tpu.memory_space<vmem_shared>>
      tpu.enqueue_indirect_dma source(%dma_start3A_405 : memref<128x128xbf16, #tpu.memory_space<vmem>>) target(%dma_start3A_409 : memref<10240x128xbf16, #tpu.memory_space<vmem_shared>>) offsets(%dma_start3A_406 : memref<128xi32, #tpu.memory_space<vmem>>) semaphore(%arg18 : memref<!tpu.dma_semaphore, #tpu.memory_space<semaphore_mem>>) {add = true}
      %add3A_410 = arith.constant 4 : i32
      %add3A_411 = arith.addi %add3A_387, %add3A_410 : i32
      %sub3A = arith.constant 1 : i32
      %sub3A_412 = arith.subi %add3A_411, %sub3A : i32
      %lt3A = arith.constant 40 : i32
      %lt3A_413 = arith.cmpi slt, %sub3A_412, %lt3A : i32
      %convert_element_type3A_414 = arith.extui %lt3A_413 : i1 to i32
      %cond3A_415 = arith.constant 0 : i32
      %cond3A_416 = arith.cmpi ne, %convert_element_type3A_414, %cond3A_415 : i32
      scf.if %cond3A_416 {
        %gt3A = arith.constant 0 : i32
        %gt3A_522 = arith.cmpi sgt, %scan3A_383, %gt3A : i32
        %convert_element_type3A_523 = arith.extui %gt3A_522 : i1 to i32
        %cond3A_524 = arith.constant 0 : i32
        %cond3A_525 = arith.cmpi ne, %convert_element_type3A_523, %cond3A_524 : i32
        scf.if %cond3A_525 {
          %sub3A_541 = arith.constant 1 : i32
          %sub3A_542 = arith.subi %add3A_387, %sub3A_541 : i32
          %mul3A_543 = arith.constant 128 : i32
          %mul3A_544 = arith.muli %sub3A_542, %mul3A_543 : i32
          %dma_wait3A_545 = arith.constant 3 : i32
          %dma_wait3A_546 = arith.constant 0 : i32
          %dma_wait3A_547 = arith.constant 0 : i32
          %dma_wait3A_548 = tpu.memref_slice %arg11[%dma_wait3A_545, %dma_wait3A_546, %dma_wait3A_547] : memref<4x128x128xbf16, #tpu.memory_space<vmem>> -> memref<1x128x128xbf16, #tpu.memory_space<vmem>>
          %dma_wait3A_549 = tpu.memref_squeeze %dma_wait3A_548 : memref<1x128x128xbf16, #tpu.memory_space<vmem>> -> memref<128x128xbf16, #tpu.memory_space<vmem>>
          %dma_wait3A_550 = tpu.memref_slice %arg10[%mul3A_544] : memref<5120xi32, #tpu.memory_space<vmem>> -> memref<128xi32, #tpu.memory_space<vmem>>
          %dma_wait3A_551 = arith.constant 0 : i32
          %dma_wait3A_552 = arith.constant 0 : i32
          %dma_wait3A_553 = tpu.memref_slice %arg12[%dma_wait3A_551, %dma_wait3A_552] : memref<10240x128xbf16, #tpu.memory_space<vmem_shared>> -> memref<10240x128xbf16, #tpu.memory_space<vmem_shared>>
          tpu.wait_indirect_dma semaphore(%arg21 : memref<!tpu.dma_semaphore, #tpu.memory_space<semaphore_mem>>) src(%dma_wait3A_549 : memref<128x128xbf16, #tpu.memory_space<vmem>>) dst(%dma_wait3A_553 : memref<10240x128xbf16, #tpu.memory_space<vmem_shared>>)
        } else {
        }
        %add3A_526 = arith.constant 4 : i32
        %add3A_527 = arith.addi %add3A_387, %add3A_526 : i32
        %sub3A_528 = arith.constant 1 : i32
        %sub3A_529 = arith.subi %add3A_527, %sub3A_528 : i32
        %mul3A_530 = arith.constant 128 : i32
        %mul3A_531 = arith.muli %sub3A_529, %mul3A_530 : i32
        %dma_start3A_532 = arith.constant 3 : i32
        %dma_start3A_533 = arith.constant 0 : i32
        %dma_start3A_534 = arith.constant 0 : i32
        %dma_start3A_535 = tpu.memref_slice %arg11[%dma_start3A_532, %dma_start3A_533, %dma_start3A_534] : memref<4x128x128xbf16, #tpu.memory_space<vmem>> -> memref<1x128x128xbf16, #tpu.memory_space<vmem>>
        %dma_start3A_536 = tpu.memref_squeeze %dma_start3A_535 : memref<1x128x128xbf16, #tpu.memory_space<vmem>> -> memref<128x128xbf16, #tpu.memory_space<vmem>>
        %dma_start3A_537 = tpu.memref_slice %arg9[%mul3A_531] : memref<5120xi32, #tpu.memory_space<vmem>> -> memref<128xi32, #tpu.memory_space<vmem>>
        %dma_start3A_538 = arith.constant 0 : i32
        %dma_start3A_539 = arith.constant 0 : i32
        %dma_start3A_540 = tpu.memref_slice %arg13[%dma_start3A_538, %dma_start3A_539] : memref<10000x128xbf16, #tpu.memory_space<vmem_shared>> -> memref<10000x128xbf16, #tpu.memory_space<vmem_shared>>
        tpu.enqueue_indirect_dma source(%dma_start3A_540 : memref<10000x128xbf16, #tpu.memory_space<vmem_shared>>) target(%dma_start3A_536 : memref<128x128xbf16, #tpu.memory_space<vmem>>) offsets(%dma_start3A_537 : memref<128xi32, #tpu.memory_space<vmem>>) semaphore(%arg17 : memref<!tpu.dma_semaphore, #tpu.memory_space<semaphore_mem>>)
      } else {
      }
      %mul3A_417 = arith.constant 4 : i32
      %mul3A_418 = arith.muli %mul3A_417, %scan3A_383 : i32
      %add3A_419 = arith.constant 1 : i32
      %add3A_420 = arith.addi %mul3A_418, %add3A_419 : i32
      %mul3A_421 = arith.constant 128 : i32
      %mul3A_422 = arith.muli %add3A_420, %mul3A_421 : i32
      %dma_wait3A_423 = arith.constant 1 : i32
      %dma_wait3A_424 = arith.constant 0 : i32
      %dma_wait3A_425 = arith.constant 0 : i32
      %dma_wait3A_426 = tpu.memref_slice %arg11[%dma_wait3A_423, %dma_wait3A_424, %dma_wait3A_425] : memref<4x128x128xbf16, #tpu.memory_space<vmem>> -> memref<1x128x128xbf16, #tpu.memory_space<vmem>>
      %dma_wait3A_427 = tpu.memref_squeeze %dma_wait3A_426 : memref<1x128x128xbf16, #tpu.memory_space<vmem>> -> memref<128x128xbf16, #tpu.memory_space<vmem>>
      %dma_wait3A_428 = tpu.memref_slice %arg9[%mul3A_422] : memref<5120xi32, #tpu.memory_space<vmem>> -> memref<128xi32, #tpu.memory_space<vmem>>
      %dma_wait3A_429 = arith.constant 0 : i32
      %dma_wait3A_430 = arith.constant 0 : i32
      %dma_wait3A_431 = tpu.memref_slice %arg13[%dma_wait3A_429, %dma_wait3A_430] : memref<10000x128xbf16, #tpu.memory_space<vmem_shared>> -> memref<10000x128xbf16, #tpu.memory_space<vmem_shared>>
      tpu.wait_indirect_dma semaphore(%arg15 : memref<!tpu.dma_semaphore, #tpu.memory_space<semaphore_mem>>) src(%dma_wait3A_431 : memref<10000x128xbf16, #tpu.memory_space<vmem_shared>>) dst(%dma_wait3A_427 : memref<128x128xbf16, #tpu.memory_space<vmem>>)
      %mul3A_432 = arith.constant 128 : i32
      %mul3A_433 = arith.muli %add3A_420, %mul3A_432 : i32
      %dma_start3A_434 = arith.constant 1 : i32
      %dma_start3A_435 = arith.constant 0 : i32
      %dma_start3A_436 = arith.constant 0 : i32
      %dma_start3A_437 = tpu.memref_slice %arg11[%dma_start3A_434, %dma_start3A_435, %dma_start3A_436] : memref<4x128x128xbf16, #tpu.memory_space<vmem>> -> memref<1x128x128xbf16, #tpu.memory_space<vmem>>
      %dma_start3A_438 = tpu.memref_squeeze %dma_start3A_437 : memref<1x128x128xbf16, #tpu.memory_space<vmem>> -> memref<128x128xbf16, #tpu.memory_space<vmem>>
      %dma_start3A_439 = tpu.memref_slice %arg10[%mul3A_433] : memref<5120xi32, #tpu.memory_space<vmem>> -> memref<128xi32, #tpu.memory_space<vmem>>
      %dma_start3A_440 = arith.constant 0 : i32
      %dma_start3A_441 = arith.constant 0 : i32
      %dma_start3A_442 = tpu.memref_slice %arg12[%dma_start3A_440, %dma_start3A_441] : memref<10240x128xbf16, #tpu.memory_space<vmem_shared>> -> memref<10240x128xbf16, #tpu.memory_space<vmem_shared>>
      tpu.enqueue_indirect_dma source(%dma_start3A_438 : memref<128x128xbf16, #tpu.memory_space<vmem>>) target(%dma_start3A_442 : memref<10240x128xbf16, #tpu.memory_space<vmem_shared>>) offsets(%dma_start3A_439 : memref<128xi32, #tpu.memory_space<vmem>>) semaphore(%arg19 : memref<!tpu.dma_semaphore, #tpu.memory_space<semaphore_mem>>) {add = true}
      %add3A_443 = arith.constant 4 : i32
      %add3A_444 = arith.addi %add3A_420, %add3A_443 : i32
      %sub3A_445 = arith.constant 1 : i32
      %sub3A_446 = arith.subi %add3A_444, %sub3A_445 : i32
      %lt3A_447 = arith.constant 40 : i32
      %lt3A_448 = arith.cmpi slt, %sub3A_446, %lt3A_447 : i32
      %convert_element_type3A_449 = arith.extui %lt3A_448 : i1 to i32
      %cond3A_450 = arith.constant 0 : i32
      %cond3A_451 = arith.cmpi ne, %convert_element_type3A_449, %cond3A_450 : i32
      scf.if %cond3A_451 {
        %sub3A_522 = arith.constant 1 : i32
        %sub3A_523 = arith.subi %add3A_420, %sub3A_522 : i32
        %mul3A_524 = arith.constant 128 : i32
        %mul3A_525 = arith.muli %sub3A_523, %mul3A_524 : i32
        %dma_wait3A_526 = arith.constant 0 : i32
        %dma_wait3A_527 = arith.constant 0 : i32
        %dma_wait3A_528 = arith.constant 0 : i32
        %dma_wait3A_529 = tpu.memref_slice %arg11[%dma_wait3A_526, %dma_wait3A_527, %dma_wait3A_528] : memref<4x128x128xbf16, #tpu.memory_space<vmem>> -> memref<1x128x128xbf16, #tpu.memory_space<vmem>>
        %dma_wait3A_530 = tpu.memref_squeeze %dma_wait3A_529 : memref<1x128x128xbf16, #tpu.memory_space<vmem>> -> memref<128x128xbf16, #tpu.memory_space<vmem>>
        %dma_wait3A_531 = tpu.memref_slice %arg10[%mul3A_525] : memref<5120xi32, #tpu.memory_space<vmem>> -> memref<128xi32, #tpu.memory_space<vmem>>
        %dma_wait3A_532 = arith.constant 0 : i32
        %dma_wait3A_533 = arith.constant 0 : i32
        %dma_wait3A_534 = tpu.memref_slice %arg12[%dma_wait3A_532, %dma_wait3A_533] : memref<10240x128xbf16, #tpu.memory_space<vmem_shared>> -> memref<10240x128xbf16, #tpu.memory_space<vmem_shared>>
        tpu.wait_indirect_dma semaphore(%arg18 : memref<!tpu.dma_semaphore, #tpu.memory_space<semaphore_mem>>) src(%dma_wait3A_530 : memref<128x128xbf16, #tpu.memory_space<vmem>>) dst(%dma_wait3A_534 : memref<10240x128xbf16, #tpu.memory_space<vmem_shared>>)
        %add3A_535 = arith.constant 4 : i32
        %add3A_536 = arith.addi %add3A_420, %add3A_535 : i32
        %sub3A_537 = arith.constant 1 : i32
        %sub3A_538 = arith.subi %add3A_536, %sub3A_537 : i32
        %mul3A_539 = arith.constant 128 : i32
        %mul3A_540 = arith.muli %sub3A_538, %mul3A_539 : i32
        %dma_start3A_541 = arith.constant 0 : i32
        %dma_start3A_542 = arith.constant 0 : i32
        %dma_start3A_543 = arith.constant 0 : i32
        %dma_start3A_544 = tpu.memref_slice %arg11[%dma_start3A_541, %dma_start3A_542, %dma_start3A_543] : memref<4x128x128xbf16, #tpu.memory_space<vmem>> -> memref<1x128x128xbf16, #tpu.memory_space<vmem>>
        %dma_start3A_545 = tpu.memref_squeeze %dma_start3A_544 : memref<1x128x128xbf16, #tpu.memory_space<vmem>> -> memref<128x128xbf16, #tpu.memory_space<vmem>>
        %dma_start3A_546 = tpu.memref_slice %arg9[%mul3A_540] : memref<5120xi32, #tpu.memory_space<vmem>> -> memref<128xi32, #tpu.memory_space<vmem>>
        %dma_start3A_547 = arith.constant 0 : i32
        %dma_start3A_548 = arith.constant 0 : i32
        %dma_start3A_549 = tpu.memref_slice %arg13[%dma_start3A_547, %dma_start3A_548] : memref<10000x128xbf16, #tpu.memory_space<vmem_shared>> -> memref<10000x128xbf16, #tpu.memory_space<vmem_shared>>
        tpu.enqueue_indirect_dma source(%dma_start3A_549 : memref<10000x128xbf16, #tpu.memory_space<vmem_shared>>) target(%dma_start3A_545 : memref<128x128xbf16, #tpu.memory_space<vmem>>) offsets(%dma_start3A_546 : memref<128xi32, #tpu.memory_space<vmem>>) semaphore(%arg14 : memref<!tpu.dma_semaphore, #tpu.memory_space<semaphore_mem>>)
      } else {
      }
      %mul3A_452 = arith.constant 4 : i32
      %mul3A_453 = arith.muli %mul3A_452, %scan3A_383 : i32
      %add3A_454 = arith.constant 2 : i32
      %add3A_455 = arith.addi %mul3A_453, %add3A_454 : i32
      %mul3A_456 = arith.constant 128 : i32
      %mul3A_457 = arith.muli %add3A_455, %mul3A_456 : i32
      %dma_wait3A_458 = arith.constant 2 : i32
      %dma_wait3A_459 = arith.constant 0 : i32
      %dma_wait3A_460 = arith.constant 0 : i32
      %dma_wait3A_461 = tpu.memref_slice %arg11[%dma_wait3A_458, %dma_wait3A_459, %dma_wait3A_460] : memref<4x128x128xbf16, #tpu.memory_space<vmem>> -> memref<1x128x128xbf16, #tpu.memory_space<vmem>>
      %dma_wait3A_462 = tpu.memref_squeeze %dma_wait3A_461 : memref<1x128x128xbf16, #tpu.memory_space<vmem>> -> memref<128x128xbf16, #tpu.memory_space<vmem>>
      %dma_wait3A_463 = tpu.memref_slice %arg9[%mul3A_457] : memref<5120xi32, #tpu.memory_space<vmem>> -> memref<128xi32, #tpu.memory_space<vmem>>
      %dma_wait3A_464 = arith.constant 0 : i32
      %dma_wait3A_465 = arith.constant 0 : i32
      %dma_wait3A_466 = tpu.memref_slice %arg13[%dma_wait3A_464, %dma_wait3A_465] : memref<10000x128xbf16, #tpu.memory_space<vmem_shared>> -> memref<10000x128xbf16, #tpu.memory_space<vmem_shared>>
      tpu.wait_indirect_dma semaphore(%arg16 : memref<!tpu.dma_semaphore, #tpu.memory_space<semaphore_mem>>) src(%dma_wait3A_466 : memref<10000x128xbf16, #tpu.memory_space<vmem_shared>>) dst(%dma_wait3A_462 : memref<128x128xbf16, #tpu.memory_space<vmem>>)
      %mul3A_467 = arith.constant 128 : i32
      %mul3A_468 = arith.muli %add3A_455, %mul3A_467 : i32
      %dma_start3A_469 = arith.constant 2 : i32
      %dma_start3A_470 = arith.constant 0 : i32
      %dma_start3A_471 = arith.constant 0 : i32
      %dma_start3A_472 = tpu.memref_slice %arg11[%dma_start3A_469, %dma_start3A_470, %dma_start3A_471] : memref<4x128x128xbf16, #tpu.memory_space<vmem>> -> memref<1x128x128xbf16, #tpu.memory_space<vmem>>
      %dma_start3A_473 = tpu.memref_squeeze %dma_start3A_472 : memref<1x128x128xbf16, #tpu.memory_space<vmem>> -> memref<128x128xbf16, #tpu.memory_space<vmem>>
      %dma_start3A_474 = tpu.memref_slice %arg10[%mul3A_468] : memref<5120xi32, #tpu.memory_space<vmem>> -> memref<128xi32, #tpu.memory_space<vmem>>
      %dma_start3A_475 = arith.constant 0 : i32
      %dma_start3A_476 = arith.constant 0 : i32
      %dma_start3A_477 = tpu.memref_slice %arg12[%dma_start3A_475, %dma_start3A_476] : memref<10240x128xbf16, #tpu.memory_space<vmem_shared>> -> memref<10240x128xbf16, #tpu.memory_space<vmem_shared>>
      tpu.enqueue_indirect_dma source(%dma_start3A_473 : memref<128x128xbf16, #tpu.memory_space<vmem>>) target(%dma_start3A_477 : memref<10240x128xbf16, #tpu.memory_space<vmem_shared>>) offsets(%dma_start3A_474 : memref<128xi32, #tpu.memory_space<vmem>>) semaphore(%arg20 : memref<!tpu.dma_semaphore, #tpu.memory_space<semaphore_mem>>) {add = true}
      %add3A_478 = arith.constant 4 : i32
      %add3A_479 = arith.addi %add3A_455, %add3A_478 : i32
      %sub3A_480 = arith.constant 1 : i32
      %sub3A_481 = arith.subi %add3A_479, %sub3A_480 : i32
      %lt3A_482 = arith.constant 40 : i32
      %lt3A_483 = arith.cmpi slt, %sub3A_481, %lt3A_482 : i32
      %convert_element_type3A_484 = arith.extui %lt3A_483 : i1 to i32
      %cond3A_485 = arith.constant 0 : i32
      %cond3A_486 = arith.cmpi ne, %convert_element_type3A_484, %cond3A_485 : i32
      scf.if %cond3A_486 {
        %sub3A_522 = arith.constant 1 : i32
        %sub3A_523 = arith.subi %add3A_455, %sub3A_522 : i32
        %mul3A_524 = arith.constant 128 : i32
        %mul3A_525 = arith.muli %sub3A_523, %mul3A_524 : i32
        %dma_wait3A_526 = arith.constant 1 : i32
        %dma_wait3A_527 = arith.constant 0 : i32
        %dma_wait3A_528 = arith.constant 0 : i32
        %dma_wait3A_529 = tpu.memref_slice %arg11[%dma_wait3A_526, %dma_wait3A_527, %dma_wait3A_528] : memref<4x128x128xbf16, #tpu.memory_space<vmem>> -> memref<1x128x128xbf16, #tpu.memory_space<vmem>>
        %dma_wait3A_530 = tpu.memref_squeeze %dma_wait3A_529 : memref<1x128x128xbf16, #tpu.memory_space<vmem>> -> memref<128x128xbf16, #tpu.memory_space<vmem>>
        %dma_wait3A_531 = tpu.memref_slice %arg10[%mul3A_525] : memref<5120xi32, #tpu.memory_space<vmem>> -> memref<128xi32, #tpu.memory_space<vmem>>
        %dma_wait3A_532 = arith.constant 0 : i32
        %dma_wait3A_533 = arith.constant 0 : i32
        %dma_wait3A_534 = tpu.memref_slice %arg12[%dma_wait3A_532, %dma_wait3A_533] : memref<10240x128xbf16, #tpu.memory_space<vmem_shared>> -> memref<10240x128xbf16, #tpu.memory_space<vmem_shared>>
        tpu.wait_indirect_dma semaphore(%arg19 : memref<!tpu.dma_semaphore, #tpu.memory_space<semaphore_mem>>) src(%dma_wait3A_530 : memref<128x128xbf16, #tpu.memory_space<vmem>>) dst(%dma_wait3A_534 : memref<10240x128xbf16, #tpu.memory_space<vmem_shared>>)
        %add3A_535 = arith.constant 4 : i32
        %add3A_536 = arith.addi %add3A_455, %add3A_535 : i32
        %sub3A_537 = arith.constant 1 : i32
        %sub3A_538 = arith.subi %add3A_536, %sub3A_537 : i32
        %mul3A_539 = arith.constant 128 : i32
        %mul3A_540 = arith.muli %sub3A_538, %mul3A_539 : i32
        %dma_start3A_541 = arith.constant 1 : i32
        %dma_start3A_542 = arith.constant 0 : i32
        %dma_start3A_543 = arith.constant 0 : i32
        %dma_start3A_544 = tpu.memref_slice %arg11[%dma_start3A_541, %dma_start3A_542, %dma_start3A_543] : memref<4x128x128xbf16, #tpu.memory_space<vmem>> -> memref<1x128x128xbf16, #tpu.memory_space<vmem>>
        %dma_start3A_545 = tpu.memref_squeeze %dma_start3A_544 : memref<1x128x128xbf16, #tpu.memory_space<vmem>> -> memref<128x128xbf16, #tpu.memory_space<vmem>>
        %dma_start3A_546 = tpu.memref_slice %arg9[%mul3A_540] : memref<5120xi32, #tpu.memory_space<vmem>> -> memref<128xi32, #tpu.memory_space<vmem>>
        %dma_start3A_547 = arith.constant 0 : i32
        %dma_start3A_548 = arith.constant 0 : i32
        %dma_start3A_549 = tpu.memref_slice %arg13[%dma_start3A_547, %dma_start3A_548] : memref<10000x128xbf16, #tpu.memory_space<vmem_shared>> -> memref<10000x128xbf16, #tpu.memory_space<vmem_shared>>
        tpu.enqueue_indirect_dma source(%dma_start3A_549 : memref<10000x128xbf16, #tpu.memory_space<vmem_shared>>) target(%dma_start3A_545 : memref<128x128xbf16, #tpu.memory_space<vmem>>) offsets(%dma_start3A_546 : memref<128xi32, #tpu.memory_space<vmem>>) semaphore(%arg15 : memref<!tpu.dma_semaphore, #tpu.memory_space<semaphore_mem>>)
      } else {
      }
      %mul3A_487 = arith.constant 4 : i32
      %mul3A_488 = arith.muli %mul3A_487, %scan3A_383 : i32
      %add3A_489 = arith.constant 3 : i32
      %add3A_490 = arith.addi %mul3A_488, %add3A_489 : i32
      %mul3A_491 = arith.constant 128 : i32
      %mul3A_492 = arith.muli %add3A_490, %mul3A_491 : i32
      %dma_wait3A_493 = arith.constant 3 : i32
      %dma_wait3A_494 = arith.constant 0 : i32
      %dma_wait3A_495 = arith.constant 0 : i32
      %dma_wait3A_496 = tpu.memref_slice %arg11[%dma_wait3A_493, %dma_wait3A_494, %dma_wait3A_495] : memref<4x128x128xbf16, #tpu.memory_space<vmem>> -> memref<1x128x128xbf16, #tpu.memory_space<vmem>>
      %dma_wait3A_497 = tpu.memref_squeeze %dma_wait3A_496 : memref<1x128x128xbf16, #tpu.memory_space<vmem>> -> memref<128x128xbf16, #tpu.memory_space<vmem>>
      %dma_wait3A_498 = tpu.memref_slice %arg9[%mul3A_492] : memref<5120xi32, #tpu.memory_space<vmem>> -> memref<128xi32, #tpu.memory_space<vmem>>
      %dma_wait3A_499 = arith.constant 0 : i32
      %dma_wait3A_500 = arith.constant 0 : i32
      %dma_wait3A_501 = tpu.memref_slice %arg13[%dma_wait3A_499, %dma_wait3A_500] : memref<10000x128xbf16, #tpu.memory_space<vmem_shared>> -> memref<10000x128xbf16, #tpu.memory_space<vmem_shared>>
      tpu.wait_indirect_dma semaphore(%arg17 : memref<!tpu.dma_semaphore, #tpu.memory_space<semaphore_mem>>) src(%dma_wait3A_501 : memref<10000x128xbf16, #tpu.memory_space<vmem_shared>>) dst(%dma_wait3A_497 : memref<128x128xbf16, #tpu.memory_space<vmem>>)
      %mul3A_502 = arith.constant 128 : i32
      %mul3A_503 = arith.muli %add3A_490, %mul3A_502 : i32
      %dma_start3A_504 = arith.constant 3 : i32
      %dma_start3A_505 = arith.constant 0 : i32
      %dma_start3A_506 = arith.constant 0 : i32
      %dma_start3A_507 = tpu.memref_slice %arg11[%dma_start3A_504, %dma_start3A_505, %dma_start3A_506] : memref<4x128x128xbf16, #tpu.memory_space<vmem>> -> memref<1x128x128xbf16, #tpu.memory_space<vmem>>
      %dma_start3A_508 = tpu.memref_squeeze %dma_start3A_507 : memref<1x128x128xbf16, #tpu.memory_space<vmem>> -> memref<128x128xbf16, #tpu.memory_space<vmem>>
      %dma_start3A_509 = tpu.memref_slice %arg10[%mul3A_503] : memref<5120xi32, #tpu.memory_space<vmem>> -> memref<128xi32, #tpu.memory_space<vmem>>
      %dma_start3A_510 = arith.constant 0 : i32
      %dma_start3A_511 = arith.constant 0 : i32
      %dma_start3A_512 = tpu.memref_slice %arg12[%dma_start3A_510, %dma_start3A_511] : memref<10240x128xbf16, #tpu.memory_space<vmem_shared>> -> memref<10240x128xbf16, #tpu.memory_space<vmem_shared>>
      tpu.enqueue_indirect_dma source(%dma_start3A_508 : memref<128x128xbf16, #tpu.memory_space<vmem>>) target(%dma_start3A_512 : memref<10240x128xbf16, #tpu.memory_space<vmem_shared>>) offsets(%dma_start3A_509 : memref<128xi32, #tpu.memory_space<vmem>>) semaphore(%arg21 : memref<!tpu.dma_semaphore, #tpu.memory_space<semaphore_mem>>) {add = true}
      %add3A_513 = arith.constant 4 : i32
      %add3A_514 = arith.addi %add3A_490, %add3A_513 : i32
      %sub3A_515 = arith.constant 1 : i32
      %sub3A_516 = arith.subi %add3A_514, %sub3A_515 : i32
      %lt3A_517 = arith.constant 40 : i32
      %lt3A_518 = arith.cmpi slt, %sub3A_516, %lt3A_517 : i32
      %convert_element_type3A_519 = arith.extui %lt3A_518 : i1 to i32
      %cond3A_520 = arith.constant 0 : i32
      %cond3A_521 = arith.cmpi ne, %convert_element_type3A_519, %cond3A_520 : i32
      scf.if %cond3A_521 {
        %sub3A_522 = arith.constant 1 : i32
        %sub3A_523 = arith.subi %add3A_490, %sub3A_522 : i32
        %mul3A_524 = arith.constant 128 : i32
        %mul3A_525 = arith.muli %sub3A_523, %mul3A_524 : i32
        %dma_wait3A_526 = arith.constant 2 : i32
        %dma_wait3A_527 = arith.constant 0 : i32
        %dma_wait3A_528 = arith.constant 0 : i32
        %dma_wait3A_529 = tpu.memref_slice %arg11[%dma_wait3A_526, %dma_wait3A_527, %dma_wait3A_528] : memref<4x128x128xbf16, #tpu.memory_space<vmem>> -> memref<1x128x128xbf16, #tpu.memory_space<vmem>>
        %dma_wait3A_530 = tpu.memref_squeeze %dma_wait3A_529 : memref<1x128x128xbf16, #tpu.memory_space<vmem>> -> memref<128x128xbf16, #tpu.memory_space<vmem>>
        %dma_wait3A_531 = tpu.memref_slice %arg10[%mul3A_525] : memref<5120xi32, #tpu.memory_space<vmem>> -> memref<128xi32, #tpu.memory_space<vmem>>
        %dma_wait3A_532 = arith.constant 0 : i32
        %dma_wait3A_533 = arith.constant 0 : i32
        %dma_wait3A_534 = tpu.memref_slice %arg12[%dma_wait3A_532, %dma_wait3A_533] : memref<10240x128xbf16, #tpu.memory_space<vmem_shared>> -> memref<10240x128xbf16, #tpu.memory_space<vmem_shared>>
        tpu.wait_indirect_dma semaphore(%arg20 : memref<!tpu.dma_semaphore, #tpu.memory_space<semaphore_mem>>) src(%dma_wait3A_530 : memref<128x128xbf16, #tpu.memory_space<vmem>>) dst(%dma_wait3A_534 : memref<10240x128xbf16, #tpu.memory_space<vmem_shared>>)
        %add3A_535 = arith.constant 4 : i32
        %add3A_536 = arith.addi %add3A_490, %add3A_535 : i32
        %sub3A_537 = arith.constant 1 : i32
        %sub3A_538 = arith.subi %add3A_536, %sub3A_537 : i32
        %mul3A_539 = arith.constant 128 : i32
        %mul3A_540 = arith.muli %sub3A_538, %mul3A_539 : i32
        %dma_start3A_541 = arith.constant 2 : i32
        %dma_start3A_542 = arith.constant 0 : i32
        %dma_start3A_543 = arith.constant 0 : i32
        %dma_start3A_544 = tpu.memref_slice %arg11[%dma_start3A_541, %dma_start3A_542, %dma_start3A_543] : memref<4x128x128xbf16, #tpu.memory_space<vmem>> -> memref<1x128x128xbf16, #tpu.memory_space<vmem>>
        %dma_start3A_545 = tpu.memref_squeeze %dma_start3A_544 : memref<1x128x128xbf16, #tpu.memory_space<vmem>> -> memref<128x128xbf16, #tpu.memory_space<vmem>>
        %dma_start3A_546 = tpu.memref_slice %arg9[%mul3A_540] : memref<5120xi32, #tpu.memory_space<vmem>> -> memref<128xi32, #tpu.memory_space<vmem>>
        %dma_start3A_547 = arith.constant 0 : i32
        %dma_start3A_548 = arith.constant 0 : i32
        %dma_start3A_549 = tpu.memref_slice %arg13[%dma_start3A_547, %dma_start3A_548] : memref<10000x128xbf16, #tpu.memory_space<vmem_shared>> -> memref<10000x128xbf16, #tpu.memory_space<vmem_shared>>
        tpu.enqueue_indirect_dma source(%dma_start3A_549 : memref<10000x128xbf16, #tpu.memory_space<vmem_shared>>) target(%dma_start3A_545 : memref<128x128xbf16, #tpu.memory_space<vmem>>) offsets(%dma_start3A_546 : memref<128xi32, #tpu.memory_space<vmem>>) semaphore(%arg16 : memref<!tpu.dma_semaphore, #tpu.memory_space<semaphore_mem>>)
      } else {
      }
    }
    %scan3A_339 = arith.constant 10 : i32
    %dma_wait3A_340 = arith.constant 0 : i32
    %dma_wait3A_341 = arith.constant 0 : i32
    %dma_wait3A_342 = arith.constant 0 : i32
    %dma_wait3A_343 = tpu.memref_slice %arg11[%dma_wait3A_340, %dma_wait3A_341, %dma_wait3A_342] : memref<4x128x128xbf16, #tpu.memory_space<vmem>> -> memref<1x128x128xbf16, #tpu.memory_space<vmem>>
    %dma_wait3A_344 = tpu.memref_squeeze %dma_wait3A_343 : memref<1x128x128xbf16, #tpu.memory_space<vmem>> -> memref<128x128xbf16, #tpu.memory_space<vmem>>
    %dma_wait3A_345 = arith.constant 4608 : i32
    %dma_wait3A_346 = tpu.memref_slice %arg10[%dma_wait3A_345] : memref<5120xi32, #tpu.memory_space<vmem>> -> memref<128xi32, #tpu.memory_space<vmem>>
    %dma_wait3A_347 = arith.constant 0 : i32
    %dma_wait3A_348 = arith.constant 0 : i32
    %dma_wait3A_349 = tpu.memref_slice %arg12[%dma_wait3A_347, %dma_wait3A_348] : memref<10240x128xbf16, #tpu.memory_space<vmem_shared>> -> memref<10240x128xbf16, #tpu.memory_space<vmem_shared>>
    tpu.wait_indirect_dma semaphore(%arg18 : memref<!tpu.dma_semaphore, #tpu.memory_space<semaphore_mem>>) src(%dma_wait3A_344 : memref<128x128xbf16, #tpu.memory_space<vmem>>) dst(%dma_wait3A_349 : memref<10240x128xbf16, #tpu.memory_space<vmem_shared>>)
    %dma_wait3A_350 = arith.constant 1 : i32
    %dma_wait3A_351 = arith.constant 0 : i32
    %dma_wait3A_352 = arith.constant 0 : i32
    %dma_wait3A_353 = tpu.memref_slice %arg11[%dma_wait3A_350, %dma_wait3A_351, %dma_wait3A_352] : memref<4x128x128xbf16, #tpu.memory_space<vmem>> -> memref<1x128x128xbf16, #tpu.memory_space<vmem>>
    %dma_wait3A_354 = tpu.memref_squeeze %dma_wait3A_353 : memref<1x128x128xbf16, #tpu.memory_space<vmem>> -> memref<128x128xbf16, #tpu.memory_space<vmem>>
    %dma_wait3A_355 = arith.constant 4736 : i32
    %dma_wait3A_356 = tpu.memref_slice %arg10[%dma_wait3A_355] : memref<5120xi32, #tpu.memory_space<vmem>> -> memref<128xi32, #tpu.memory_space<vmem>>
    %dma_wait3A_357 = arith.constant 0 : i32
    %dma_wait3A_358 = arith.constant 0 : i32
    %dma_wait3A_359 = tpu.memref_slice %arg12[%dma_wait3A_357, %dma_wait3A_358] : memref<10240x128xbf16, #tpu.memory_space<vmem_shared>> -> memref<10240x128xbf16, #tpu.memory_space<vmem_shared>>
    tpu.wait_indirect_dma semaphore(%arg19 : memref<!tpu.dma_semaphore, #tpu.memory_space<semaphore_mem>>) src(%dma_wait3A_354 : memref<128x128xbf16, #tpu.memory_space<vmem>>) dst(%dma_wait3A_359 : memref<10240x128xbf16, #tpu.memory_space<vmem_shared>>)
    %dma_wait3A_360 = arith.constant 2 : i32
    %dma_wait3A_361 = arith.constant 0 : i32
    %dma_wait3A_362 = arith.constant 0 : i32
    %dma_wait3A_363 = tpu.memref_slice %arg11[%dma_wait3A_360, %dma_wait3A_361, %dma_wait3A_362] : memref<4x128x128xbf16, #tpu.memory_space<vmem>> -> memref<1x128x128xbf16, #tpu.memory_space<vmem>>
    %dma_wait3A_364 = tpu.memref_squeeze %dma_wait3A_363 : memref<1x128x128xbf16, #tpu.memory_space<vmem>> -> memref<128x128xbf16, #tpu.memory_space<vmem>>
    %dma_wait3A_365 = arith.constant 4864 : i32
    %dma_wait3A_366 = tpu.memref_slice %arg10[%dma_wait3A_365] : memref<5120xi32, #tpu.memory_space<vmem>> -> memref<128xi32, #tpu.memory_space<vmem>>
    %dma_wait3A_367 = arith.constant 0 : i32
    %dma_wait3A_368 = arith.constant 0 : i32
    %dma_wait3A_369 = tpu.memref_slice %arg12[%dma_wait3A_367, %dma_wait3A_368] : memref<10240x128xbf16, #tpu.memory_space<vmem_shared>> -> memref<10240x128xbf16, #tpu.memory_space<vmem_shared>>
    tpu.wait_indirect_dma semaphore(%arg20 : memref<!tpu.dma_semaphore, #tpu.memory_space<semaphore_mem>>) src(%dma_wait3A_364 : memref<128x128xbf16, #tpu.memory_space<vmem>>) dst(%dma_wait3A_369 : memref<10240x128xbf16, #tpu.memory_space<vmem_shared>>)
    %dma_wait3A_370 = arith.constant 3 : i32
    %dma_wait3A_371 = arith.constant 0 : i32
    %dma_wait3A_372 = arith.constant 0 : i32
    %dma_wait3A_373 = tpu.memref_slice %arg11[%dma_wait3A_370, %dma_wait3A_371, %dma_wait3A_372] : memref<4x128x128xbf16, #tpu.memory_space<vmem>> -> memref<1x128x128xbf16, #tpu.memory_space<vmem>>
    %dma_wait3A_374 = tpu.memref_squeeze %dma_wait3A_373 : memref<1x128x128xbf16, #tpu.memory_space<vmem>> -> memref<128x128xbf16, #tpu.memory_space<vmem>>
    %dma_wait3A_375 = arith.constant 4992 : i32
    %dma_wait3A_376 = tpu.memref_slice %arg10[%dma_wait3A_375] : memref<5120xi32, #tpu.memory_space<vmem>> -> memref<128xi32, #tpu.memory_space<vmem>>
    %dma_wait3A_377 = arith.constant 0 : i32
    %dma_wait3A_378 = arith.constant 0 : i32
    %dma_wait3A_379 = tpu.memref_slice %arg12[%dma_wait3A_377, %dma_wait3A_378] : memref<10240x128xbf16, #tpu.memory_space<vmem_shared>> -> memref<10240x128xbf16, #tpu.memory_space<vmem_shared>>
    tpu.wait_indirect_dma semaphore(%arg21 : memref<!tpu.dma_semaphore, #tpu.memory_space<semaphore_mem>>) src(%dma_wait3A_374 : memref<128x128xbf16, #tpu.memory_space<vmem>>) dst(%dma_wait3A_379 : memref<10240x128xbf16, #tpu.memory_space<vmem_shared>>)
    %barrier3A_380 = arith.constant 0 : index
    tpu.barrier barrier_id(%barrier3A_380)
    %mul3A_381 = arith.constant 640 : i32
    %mul3A_382 = arith.muli %arg1, %mul3A_381 : i32
    "tpu.region"() ({
      %run_scoped3A = tpu.sem_alloc : memref<!tpu.dma_semaphore, #tpu.memory_space<semaphore_mem>>
      %dma_start3A_383 = arith.constant 0 : i32
      %dma_start3A_384 = arith.constant 0 : i32
      %dma_start3A_385 = tpu.memref_slice %arg8[%add3A_194, %dma_start3A_383, %dma_start3A_384] : memref<64x640x128xbf16, #tpu.memory_space<hbm>> -> memref<1x640x128xbf16, #tpu.memory_space<hbm>>
      %dma_start3A_386 = tpu.memref_squeeze %dma_start3A_385 : memref<1x640x128xbf16, #tpu.memory_space<hbm>> -> memref<640x128xbf16, #tpu.memory_space<hbm>>
      %dma_start3A_387 = arith.constant 0 : i32
      %dma_start3A_388 = tpu.memref_slice %arg12[%mul3A_382, %dma_start3A_387] : memref<10240x128xbf16, #tpu.memory_space<vmem_shared>> -> memref<640x128xbf16, #tpu.memory_space<vmem_shared>>
      tpu.enqueue_dma source(%dma_start3A_388 : memref<640x128xbf16, #tpu.memory_space<vmem_shared>>) target(%dma_start3A_386 : memref<640x128xbf16, #tpu.memory_space<hbm>>) target_semaphore(%run_scoped3A : memref<!tpu.dma_semaphore, #tpu.memory_space<semaphore_mem>>)
      %dma_wait3A_389 = arith.constant 0 : i32
      %dma_wait3A_390 = arith.constant 0 : i32
      %dma_wait3A_391 = tpu.memref_slice %arg8[%add3A_194, %dma_wait3A_389, %dma_wait3A_390] : memref<64x640x128xbf16, #tpu.memory_space<hbm>> -> memref<1x640x128xbf16, #tpu.memory_space<hbm>>
      %dma_wait3A_392 = tpu.memref_squeeze %dma_wait3A_391 : memref<1x640x128xbf16, #tpu.memory_space<hbm>> -> memref<640x128xbf16, #tpu.memory_space<hbm>>
      %dma_wait3A_393 = arith.constant 0 : i32
      %dma_wait3A_394 = tpu.memref_slice %arg12[%mul3A_382, %dma_wait3A_393] : memref<10240x128xbf16, #tpu.memory_space<vmem_shared>> -> memref<640x128xbf16, #tpu.memory_space<vmem_shared>>
      tpu.wait_dma2 semaphore(%run_scoped3A : memref<!tpu.dma_semaphore, #tpu.memory_space<semaphore_mem>>) src(%dma_wait3A_394 : memref<640x128xbf16, #tpu.memory_space<vmem_shared>>) dst(%dma_wait3A_392 : memref<640x128xbf16, #tpu.memory_space<hbm>>)
      tpu.yield
    }) : () -> ()
    return
  }
}

module attributes {stable_mosaic.version = 14 : i64} {
  func.func @_combine_body(%arg0: i32, %arg1: memref<4x2000x128xbf16, #tpu.memory_space<vmem>>, %arg2: memref<2000x128xf32, #tpu.memory_space<vmem>>, %arg3: memref<4x2xf32, #tpu.memory_space<smem>>, %arg4: memref<2x128x128xf32, #tpu.memory_space<vmem>>, %arg5: memref<128x128xf32, #tpu.memory_space<vmem>>, %arg6: memref<2000x128xf32, #tpu.memory_space<vmem>>) attributes {dimension_semantics = [#tpu.dimension_semantics<arbitrary>], iteration_bounds = array<i64: 5>, scalar_prefetch = 0 : i64, scratch_operands = 0 : i64, tpu.core_type = #tpu.core_type<tc>, window_params = [{transform_indices = @transform_0, window_bounds = array<i64: 4, 2000, 128>}, {transform_indices = @transform_1, window_bounds = array<i64: 2000, 128>}, {transform_indices = @transform_2, window_bounds = array<i64: 4, 2>}, {pipeline_mode = #tpu.pipeline_mode<synchronous>, transform_indices = @transform_3, window_bounds = array<i64: 2, 128, 128>}, {pipeline_mode = #tpu.pipeline_mode<synchronous>, transform_indices = @transform_4, window_bounds = array<i64: 128, 128>}, {transform_indices = @transform_5, window_bounds = array<i64: 2000, 128>}]} {
    %get3A = arith.constant 0 : index
    %get3A_0 = arith.constant 0 : index
    %get3A_1 = vector.load %arg2[%get3A, %get3A_0] : memref<2000x128xf32, #tpu.memory_space<vmem>>, vector<2000x128xf32>
    %get3A_2 = arith.constant 0 : index
    %get3A_3 = arith.constant 0 : index
    %get3A_4 = vector.load %arg5[%get3A_2, %get3A_3] : memref<128x128xf32, #tpu.memory_space<vmem>>, vector<128x128xf32>
    %dot_general3A = arith.constant dense<0.000000e+00> : vector<2000x128xf32>
    %dot_general3A_5 = tpu.matmul %get3A_1, %get3A_4, %dot_general3A {dimension_numbers = #tpu.dot_dimension_numbers<[1], [0], [0], [1], [0, 0, 1, 1], [], []>, transpose_lhs_hint = false} : vector<2000x128xf32>, vector<128x128xf32>, vector<2000x128xf32> -> vector<2000x128xf32>
    %get3A_6 = arith.constant 0 : index
    %get3A_7 = arith.constant 0 : index
    %get3A_8 = arith.constant 0 : index
    %get3A_9 = vector.load %arg1[%get3A_6, %get3A_7, %get3A_8] : memref<4x2000x128xbf16, #tpu.memory_space<vmem>>, vector<4x2000x128xbf16>
    %convert_element_type3A = arith.extf %get3A_9 : vector<4x2000x128xbf16> to vector<4x2000x128xf32>
    %slice3A = vector.extract_strided_slice %convert_element_type3A {offsets = [0, 0, 0], sizes = [1, 2000, 128], strides = [1, 1, 1]} : vector<4x2000x128xf32> to vector<1x2000x128xf32>
    %squeeze3A = vector.shape_cast %slice3A : vector<1x2000x128xf32> to vector<2000x128xf32>
    %slice3A_10 = vector.extract_strided_slice %convert_element_type3A {offsets = [1, 0, 0], sizes = [1, 2000, 128], strides = [1, 1, 1]} : vector<4x2000x128xf32> to vector<1x2000x128xf32>
    %squeeze3A_11 = vector.shape_cast %slice3A_10 : vector<1x2000x128xf32> to vector<2000x128xf32>
    %slice3A_12 = vector.extract_strided_slice %convert_element_type3A {offsets = [2, 0, 0], sizes = [1, 2000, 128], strides = [1, 1, 1]} : vector<4x2000x128xf32> to vector<1x2000x128xf32>
    %squeeze3A_13 = vector.shape_cast %slice3A_12 : vector<1x2000x128xf32> to vector<2000x128xf32>
    %slice3A_14 = vector.extract_strided_slice %convert_element_type3A {offsets = [3, 0, 0], sizes = [1, 2000, 128], strides = [1, 1, 1]} : vector<4x2000x128xf32> to vector<1x2000x128xf32>
    %squeeze3A_15 = vector.shape_cast %slice3A_14 : vector<1x2000x128xf32> to vector<2000x128xf32>
    %get3A_16 = arith.constant 0 : index
    %get3A_17 = arith.constant 0 : index
    %get3A_18 = memref.load %arg3[%get3A_16, %get3A_17] : memref<4x2xf32, #tpu.memory_space<smem>>
    %mul3A = vector.broadcast %get3A_18 : f32 to vector<2000x128xf32>
    %mul3A_19 = arith.mulf %mul3A, %squeeze3A : vector<2000x128xf32>
    %get3A_20 = arith.constant 1 : index
    %get3A_21 = arith.constant 0 : index
    %get3A_22 = memref.load %arg3[%get3A_20, %get3A_21] : memref<4x2xf32, #tpu.memory_space<smem>>
    %mul3A_23 = vector.broadcast %get3A_22 : f32 to vector<2000x128xf32>
    %mul3A_24 = arith.mulf %mul3A_23, %squeeze3A_11 : vector<2000x128xf32>
    %add3A = arith.addf %mul3A_19, %mul3A_24 : vector<2000x128xf32>
    %get3A_25 = arith.constant 2 : index
    %get3A_26 = arith.constant 0 : index
    %get3A_27 = memref.load %arg3[%get3A_25, %get3A_26] : memref<4x2xf32, #tpu.memory_space<smem>>
    %mul3A_28 = vector.broadcast %get3A_27 : f32 to vector<2000x128xf32>
    %mul3A_29 = arith.mulf %mul3A_28, %squeeze3A_13 : vector<2000x128xf32>
    %add3A_30 = arith.addf %add3A, %mul3A_29 : vector<2000x128xf32>
    %get3A_31 = arith.constant 3 : index
    %get3A_32 = arith.constant 0 : index
    %get3A_33 = memref.load %arg3[%get3A_31, %get3A_32] : memref<4x2xf32, #tpu.memory_space<smem>>
    %mul3A_34 = vector.broadcast %get3A_33 : f32 to vector<2000x128xf32>
    %mul3A_35 = arith.mulf %mul3A_34, %squeeze3A_15 : vector<2000x128xf32>
    %add3A_36 = arith.addf %add3A_30, %mul3A_35 : vector<2000x128xf32>
    %get3A_37 = arith.constant 0 : index
    %get3A_38 = arith.constant 1 : index
    %get3A_39 = memref.load %arg3[%get3A_37, %get3A_38] : memref<4x2xf32, #tpu.memory_space<smem>>
    %mul3A_40 = vector.broadcast %get3A_39 : f32 to vector<2000x128xf32>
    %mul3A_41 = arith.mulf %mul3A_40, %squeeze3A : vector<2000x128xf32>
    %get3A_42 = arith.constant 1 : index
    %get3A_43 = arith.constant 1 : index
    %get3A_44 = memref.load %arg3[%get3A_42, %get3A_43] : memref<4x2xf32, #tpu.memory_space<smem>>
    %mul3A_45 = vector.broadcast %get3A_44 : f32 to vector<2000x128xf32>
    %mul3A_46 = arith.mulf %mul3A_45, %squeeze3A_11 : vector<2000x128xf32>
    %add3A_47 = arith.addf %mul3A_41, %mul3A_46 : vector<2000x128xf32>
    %get3A_48 = arith.constant 2 : index
    %get3A_49 = arith.constant 1 : index
    %get3A_50 = memref.load %arg3[%get3A_48, %get3A_49] : memref<4x2xf32, #tpu.memory_space<smem>>
    %mul3A_51 = vector.broadcast %get3A_50 : f32 to vector<2000x128xf32>
    %mul3A_52 = arith.mulf %mul3A_51, %squeeze3A_13 : vector<2000x128xf32>
    %add3A_53 = arith.addf %add3A_47, %mul3A_52 : vector<2000x128xf32>
    %get3A_54 = arith.constant 3 : index
    %get3A_55 = arith.constant 1 : index
    %get3A_56 = memref.load %arg3[%get3A_54, %get3A_55] : memref<4x2xf32, #tpu.memory_space<smem>>
    %mul3A_57 = vector.broadcast %get3A_56 : f32 to vector<2000x128xf32>
    %mul3A_58 = arith.mulf %mul3A_57, %squeeze3A_15 : vector<2000x128xf32>
    %add3A_59 = arith.addf %add3A_53, %mul3A_58 : vector<2000x128xf32>
    %get3A_60 = arith.constant 0 : index
    %get3A_61 = arith.constant 0 : index
    %get3A_62 = arith.constant 0 : index
    %get3A_63 = vector.load %arg4[%get3A_60, %get3A_61, %get3A_62] : memref<2x128x128xf32, #tpu.memory_space<vmem>>, vector<1x128x128xf32>
    %get3A_64 = vector.shape_cast %get3A_63 : vector<1x128x128xf32> to vector<128x128xf32>
    %dot_general3A_65 = arith.constant dense<0.000000e+00> : vector<2000x128xf32>
    %dot_general3A_66 = tpu.matmul %add3A_36, %get3A_64, %dot_general3A_65 {dimension_numbers = #tpu.dot_dimension_numbers<[1], [0], [0], [1], [0, 0, 1, 1], [], []>, transpose_lhs_hint = false} : vector<2000x128xf32>, vector<128x128xf32>, vector<2000x128xf32> -> vector<2000x128xf32>
    %get3A_67 = arith.constant 1 : index
    %get3A_68 = arith.constant 0 : index
    %get3A_69 = arith.constant 0 : index
    %get3A_70 = vector.load %arg4[%get3A_67, %get3A_68, %get3A_69] : memref<2x128x128xf32, #tpu.memory_space<vmem>>, vector<1x128x128xf32>
    %get3A_71 = vector.shape_cast %get3A_70 : vector<1x128x128xf32> to vector<128x128xf32>
    %dot_general3A_72 = arith.constant dense<0.000000e+00> : vector<2000x128xf32>
    %dot_general3A_73 = tpu.matmul %add3A_59, %get3A_71, %dot_general3A_72 {dimension_numbers = #tpu.dot_dimension_numbers<[1], [0], [0], [1], [0, 0, 1, 1], [], []>, transpose_lhs_hint = false} : vector<2000x128xf32>, vector<128x128xf32>, vector<2000x128xf32> -> vector<2000x128xf32>
    %add3A_74 = arith.addf %dot_general3A_66, %dot_general3A_73 : vector<2000x128xf32>
    %mul3A_75 = arith.constant 2.500000e-01 : f32
    %mul3A_76 = vector.broadcast %mul3A_75 : f32 to vector<2000x128xf32>
    %mul3A_77 = arith.mulf %mul3A_76, %add3A_74 : vector<2000x128xf32>
    %add3A_78 = arith.addf %dot_general3A_5, %mul3A_77 : vector<2000x128xf32>
    %swap3A = arith.constant 0 : index
    %swap3A_79 = arith.constant 0 : index
    %swap3A_80 = vector.load %arg6[%swap3A, %swap3A_79] : memref<2000x128xf32, #tpu.memory_space<vmem>>, vector<2000x128xf32>
    tpu.vector_store %arg6[%swap3A, %swap3A_79], %add3A_78 {strides = array<i32>} : memref<2000x128xf32, #tpu.memory_space<vmem>>, vector<2000x128xf32>,
    return
  }
  func.func @transform_0(%arg0: i32) -> (i32, i32, i32) {
    %c0_i32 = arith.constant 0 : i32
    %c0_i32_0 = arith.constant 0 : i32
    %c0_i32_1 = arith.constant 0 : i32
    return %c0_i32, %arg0, %c0_i32_0 : i32, i32, i32
  }
  func.func @transform_1(%arg0: i32) -> (i32, i32) {
    %c0_i32 = arith.constant 0 : i32
    %c0_i32_0 = arith.constant 0 : i32
    return %arg0, %c0_i32 : i32, i32
  }
  func.func @transform_2(%arg0: i32) -> (i32, i32) {
    %c0_i32 = arith.constant 0 : i32
    %c0_i32_0 = arith.constant 0 : i32
    %c0_i32_1 = arith.constant 0 : i32
    return %c0_i32, %c0_i32_0 : i32, i32
  }
  func.func @transform_3(%arg0: i32) -> (i32, i32, i32) {
    %c0_i32 = arith.constant 0 : i32
    %c0_i32_0 = arith.constant 0 : i32
    %c0_i32_1 = arith.constant 0 : i32
    %c0_i32_2 = arith.constant 0 : i32
    return %c0_i32, %c0_i32_0, %c0_i32_1 : i32, i32, i32
  }
  func.func @transform_4(%arg0: i32) -> (i32, i32) {
    %c0_i32 = arith.constant 0 : i32
    %c0_i32_0 = arith.constant 0 : i32
    %c0_i32_1 = arith.constant 0 : i32
    return %c0_i32, %c0_i32_0 : i32, i32
  }
  func.func @transform_5(%arg0: i32) -> (i32, i32) {
    %c0_i32 = arith.constant 0 : i32
    %c0_i32_0 = arith.constant 0 : i32
    return %arg0, %c0_i32 : i32, i32
  }
}

</mosaic_0001>

<sc_bundles>
// kernel: kernel.4.cloned.1.call-start
scs
__scs_entry_jumppad:
0x0: {  	(pc) =	sbr.rel $0x88, $3  }
0x1: {  	(tag) =	ssettag $0x0;
	lr =	simm.s32 $0x1  }
0x2: {  	[smem:$0x3F99] =	sst lr;
	_ =	strace $0xD0000000  }
0x3: {  	_ = 	snop  }
0x4: {  	_ = 	snop  }
0x5: {  	_ = 	snop  }
0x6: {  	_ = 	snop  }
0x7: {  	_ = 	snop  }
__scs_overlays_trampoline_lowered:
0x8: {  	[smem:$0x3FA8] =	sst s0  }
0x9: {  	[smem:$0x3FA9] =	sst s1  }
0xa: {  	[smem:$0x3FAA] =	sst s2  }
0xb: {  	[smem:$0x3FAB] =	sst s3  }
0xc: {  	[smem:$0x3FAC] =	sst s4  }
0xd: {  	[smem:$0x3FAD] =	sst s5  }
0xe: {  	[smem:$0x3FAE] =	sst s6  }
0xf: {  	[smem:$0x3FAF] =	sst s7  }
0x10: {  	[smem:$0x3FB0] =	sst s8  }
0x11: {  	[smem:$0x3FB1] =	sst s9;
	s0 =	simm.s32 @!p0 $0x0  }
0x12: {  	s1 =	sld [smem:$0x3F97];
	s0 =	simm.s32 @p0 $0x1  }
0x13: {  	[smem:$0x3FB2] =	sst s0;
	s0 =	simm.s32 @!p1 $0x0  }
0x14: {  	s2 =	sld [smem:$0x3F96];
	s0 =	simm.s32 @p1 $0x1  }
0x15: {  	[smem:$0x3FB3] =	sst s0;
	s0 =	simm.s32 @!p2 $0x0  }
0x16: {  	s3 =	sld [smem:$0x3FDB];
	s0 =	simm.s32 @p2 $0x1  }
0x17: {  	s4 =	simm.s32 $0x1BF5;
	[smem:$0x3FB5] =	sst s0  }
0x18: {  	s0 =	sld [smem:$0x3F98];
	_ =	swait.ge [sflag:s4], $0x0  }
0x19: {  	s7 =	sld [smem:$0x3F99]  }
0x1a: {  	s8 =	sadd.s32 $0xFFFFE003, lr  }
0x1b: {  	s9 =	sadd.s32 $0xFFFFFEF7, lr;
	s5 =	simm.s32 $0xFFFFFFFF;
	p2 =	slt.u32 s8, $0xFFFFF086  }
0x1c: {  	p1 =	slt.u32 s9, $0xF7A;
	s5 =	simm.s32 @!p2 $0x0  }
0x1d: {  	s5 =	simm.s32 @p1 $0x1;
	p0 =	seq.s32 s7, s2  }
0x1e: {  	s7 =	smul.u32 @!p0 $0xF7A, s2;
	p2 =	seq.s32 @!p0 s5, $0x0  }
0x1f: {  	s9 =	smul.u32 $0xF7A, s1;
	s8 =	simm.s32 @!p0 $0x1BF5;
	p2 =	por !p2, p0  }
0x20: {  	[sflag:s8] =	ssyncset.s32 @!p0 $0xFFFFF086;
	s6 =	sadd.s32 @!p0 s3, s7;
	s7 =	simm.s32 @!p0 $0x108  }
0x21: {  	s3 =	sadd.s32 s3, s9;
	s6 =	sadd.s32 @!p0 $0x88, s6;
	s7 =	simm.s32 @p2 $0x1082  }
0x22: {  	[simem:s7], [sflag:s8] =	dma.local @!p0 [hbm:s6], $0xF7A  }
0x23: {  	s9 =	sor.u32 $0xD0000000, s2;
	s6 =	simm.s32 $0x108;
	_ =	swait.ge @!p0 [sflag:s8], $0x0  }
0x24: {  	s3 =	sadd.s32 $0x88, s3;
	s6 =	simm.s32 @!p1 $0x1082;
	[sflag:s4] =	ssyncset.s32 $0xFFFFF086  }
0x25: {  	[simem:s6], [sflag:s4] =	dma.local [hbm:s3], $0xF7A  }
0x26: {  	[smem:$0x3F99] =	sst s1;
	(tag) =	ssettag s2;
	_ =	strace s9  }
0x27: {  	s1 =	sld [smem:$0x3FA9]  }
0x28: {  	s2 =	sld [smem:$0x3FAA]  }
0x29: {  	s4 =	sld [smem:$0x3FAC]  }
0x2a: {  	p0 =	seq.s32 s5, $0x0;
	s5 =	sld [smem:$0x3FAD]  }
0x2b: {  	s6 =	sld [smem:$0x3FAE]  }
0x2c: {  	s7 =	sld [smem:$0x3FAF]  }
0x2d: {  	s3 =	simm.s32 $0x108;
	s8 =	sld [smem:$0x3FB0]  }
0x2e: {  	s3 =	simm.s32 @!p0 $0x1082;
	s9 =	sld [smem:$0x3FB1]  }
0x2f: {  	lr =	sadd.s32 s0, s3;
	s0 =	sld [smem:$0x3FA8]  }
0x30: {  	s3 =	sld [smem:$0x3FAB]  }
0x31: {  	[smem:$0x3FB4] =	sst s10  }
0x32: {  	s10 =	sld [smem:$0x3FB2];
	_ =	sdelay $0x3  }
0x33: {  	p0 =	seq.s32 s10, $0x1;
	s10 =	sld [smem:$0x3FB4];
	_ =	sdelay $0x3  }
0x34: {  	[smem:$0x3FB4] =	sst s10  }
0x35: {  	s10 =	sld [smem:$0x3FB3];
	_ =	sdelay $0x3  }
0x36: {  	p1 =	seq.s32 s10, $0x1;
	s10 =	sld [smem:$0x3FB4];
	_ =	sdelay $0x3  }
0x37: {  	[smem:$0x3FB4] =	sst s10  }
0x38: {  	s10 =	sld [smem:$0x3FB5]  }
0x39: {  	_ = 	snop;
	(pc) =	sbr.ind lr, $3  }
0x3a: {  	_ = 	snop  }
0x3b: {  	_ = 	snop  }
0x3c: {  	p2 =	seq.s32 s10, $0x1;
	s10 =	sld [smem:$0x3FB4]  }
0x3d: {  	_ =	shalt  }
0x3e: {  	_ =	shalt  }
0x3f: {  	_ =	shalt  }
0x40: {  	_ =	shalt  }
0x41: {  	_ =	shalt  }
0x42: {  	_ =	shalt  }
0x43: {  	_ =	shalt  }
0x44: {  	_ =	shalt  }
0x45: {  	_ =	shalt  }
0x46: {  	_ =	shalt  }
0x47: {  	_ =	shalt  }
0x48: {  	_ =	shalt  }
0x49: {  	_ =	shalt  }
0x4a: {  	_ =	shalt  }
0x4b: {  	_ =	shalt  }
0x4c: {  	_ =	shalt  }
0x4d: {  	_ =	shalt  }
0x4e: {  	_ =	shalt  }
0x4f: {  	_ =	shalt  }
0x50: {  	_ =	shalt  }
0x51: {  	_ =	shalt  }
0x52: {  	_ =	shalt  }
0x53: {  	_ =	shalt  }
0x54: {  	_ =	shalt  }
0x55: {  	_ =	shalt  }
0x56: {  	_ =	shalt  }
0x57: {  	_ =	shalt  }
0x58: {  	_ =	shalt  }
0x59: {  	_ =	shalt  }
0x5a: {  	_ =	shalt  }
0x5b: {  	_ =	shalt  }
0x5c: {  	_ =	shalt  }
0x5d: {  	_ =	shalt  }
0x5e: {  	_ =	shalt  }
0x5f: {  	_ =	shalt  }
0x60: {  	_ =	shalt  }
0x61: {  	_ =	shalt  }
0x62: {  	_ =	shalt  }
0x63: {  	_ =	shalt  }
0x64: {  	_ =	shalt  }
0x65: {  	_ =	shalt  }
0x66: {  	_ =	shalt  }
0x67: {  	_ =	shalt  }
0x68: {  	_ =	shalt  }
0x69: {  	_ =	shalt  }
0x6a: {  	_ =	shalt  }
0x6b: {  	_ =	shalt  }
0x6c: {  	_ =	shalt  }
0x6d: {  	_ =	shalt  }
0x6e: {  	_ =	shalt  }
0x6f: {  	_ =	shalt  }
0x70: {  	_ =	shalt  }
0x71: {  	_ =	shalt  }
0x72: {  	_ =	shalt  }
0x73: {  	_ =	shalt  }
0x74: {  	_ =	shalt  }
0x75: {  	_ =	shalt  }
0x76: {  	_ =	shalt  }
0x77: {  	_ =	shalt  }
0x78: {  	_ =	shalt  }
0x79: {  	_ =	shalt  }
0x7a: {  	_ =	shalt  }
0x7b: {  	_ =	shalt  }
0x7c: {  	_ =	shalt  }
0x7d: {  	_ =	shalt  }
0x7e: {  	_ =	shalt  }
0x7f: {  	_ =	shalt  }
0x80: {  	_ =	shalt  }
0x81: {  	_ =	shalt  }
0x82: {  	_ =	shalt  }
0x83: {  	_ =	shalt  }
0x84: {  	_ =	shalt  }
0x85: {  	_ =	shalt  }
0x86: {  	_ =	shalt  }
0x87: {  	_ =	shalt  }
.Lfunc_end0:
.L_simem_size_0:
called_computation_lowered:
.L_overlay_start_0:
0x88: {  	s2 =	sld [smem:$0x3FD9]  }
0x89: {  	s3 =	sld [smem:$0x3FFE];
	_ =	sdelay $0x1  }
0x8a: {  	s1 =	srdreg.scid  }
0x8b: {  	s0 =	sand.u32 $0x1, s1  }
0x8c: {  	s17 =	sshll.u32 s0, $0xA;
	s2 =	sadd.s32 s3, s2  }
0x8d: {  	s2 =	sadd.s32 s2, s17  }
0x8e: {  	[smem:$0x3FC0] =	sst s2  }
0x8f: {  	_ = 	snop  }
0x90: {  	s2 =	sld [smem:$0x3FD0];
	(tm) =	ssettm $0x1  }
0x91: {  	s18 =	sld [smem:$0x3FFB];
	_ =	sdelay $0x3  }
0x92: {  	_ =	strace s18  }
0x93: {  	s3 =	sld [smem:$0x3FFC];
	_ =	sdelay $0x3  }
0x94: {  	_ =	strace s3  }
0x95: {  	s3 =	sld [smem:$0x3FFD];
	_ =	sdelay $0x3  }
0x96: {  	_ =	strace s3  }
0x97: {  	_ =	strace $0x8FFFFFFF  }
0x98: {  	s19 =	sld [smem:$0x3FDB];
	_ =	sdelay $0x1  }
0x99: {  	s4 =	simm.s32 $_scs_section_size  }
0x9a: {  	s5 =	simm.s32 $_size__tile_overlayer_lowered;
	s6 =	simm.s32 $_tile_overlayer_lowered  }
0x9b: {  	s22 =	simm.s32 $0x1BFF;
	s21 =	sshll.u32 s6, $0x1;
	s3 =	sadd.s32 s4, s19  }
0x9c: {  	s7 =	simm.s32 $0x0;
	s20 =	sshll.u32 s5, $0x1;
	s5 =	sadd.s32 s21, s3  }
0x9d: {  	[timem:s7], [sflag:s22] =	dma.local [hbm:s5], s20  }
0x9e: {  	_ =	swait.ge [sflag:s22], s20  }
0x9f: {  	s4 =	ssub.s32 $0x0, s20;
	[sflag:s22] =	ssyncset.done $0x0  }
0xa0: {  	[sflag:s22] =	ssyncadd.s32 s4;
	_ =	sdelay $0x1  }
0xa1: {  	s23 =	simm.s32 $0x1B8B  }
0xa2: {  	_ =	swait.ge [sflag:s23], $0x1  }
0xa3: {  	[sflag:s23] =	ssyncset.done $0x0  }
0xa4: {  	s25 =	simm.s32 $0x1B8E;
	s24 =	sld [smem:$0x3FFE];
	[sflag:s23] =	ssyncadd.s32 $0xFFFFFFFF  }
0xa5: {  	s26 =	simm.s32 $execute0_lowered;
	[smem:$0x3FD2] =	sst s25  }
0xa6: {  	s5 =	sshll.u32 s26, $0x1;
	_ =	strace $0x80000046;
	[dreg:$0x1] =	wrdreg $0xFFFFFFFF  }
0xa7: {  	s28 =	simm.s32 $_size_execute0_lowered;
	s3 =	sadd.s32 s3, s5;
	[dreg:$0x0] =	wrdreg $0x0  }
0xa8: {  	s5 =	sshll.u32 s28, $0x1;
	[dreg:$0x2] =	wrdreg s3  }
0xa9: {  	[dreg:$0x3] =	wrdreg s5  }
0xaa: {  	[dreg:$0x4] =	wrdreg $0xC0  }
0xab: {  	_ =	task [dreg:s7], $0x5FFFF  }
0xac: {  	[dreg:$0x1] =	wrdreg $0xFFFFFFFF  }
0xad: {  	[dreg:$0x0] =	wrdreg $0x60  }
0xae: {  	[dreg:$0x2] =	wrdreg s2  }
0xaf: {  	[dreg:$0x3] =	wrdreg s24  }
0xb0: {  	[dreg:$0x4] =	wrdreg $0x148000  }
0xb1: {  	[dreg:$0x5] =	wrdreg $0xA8000  }
0xb2: {  	[dreg:$0x6] =	wrdreg $0x9  }
0xb3: {  	_ =	task.clear_ibuf [dreg:s7], $0x7FFFF;
	_ =	strace $0x90000046  }
0xb4: {  	s29 =	simm.s32 $0x9;
	_ =	strace $0x80000048  }
0xb5: {  	_ =	swait.ge [sflag:s29], $0x1  }
0xb6: {  	[sflag:s29] =	ssyncadd.s32 $0xFFFFFFFF  }
0xb7: {  	_ =	strace $0x90000048  }
0xb8: {  	_ =	sfence  }
0xb9: {  	s30 =	sld [smem:$0x0];
	_ =	sdelay $0x2  }
0xba: {  	s31 =	sshll.u32 s1, $0xD;
	s1 =	sshrl.u32 s1, $0x2  }
0xbb: {  	s3 =	sand.u32 $0x4000, s31;
	s1 =	sadd.s32 s1, s30  }
0xbc: {  	s0 =	sor.u32 s3, s0;
	s1 =	sshll.u32 s1, $0x11  }
0xbd: {  	s0 =	sor.u32 s1, s0  }
0xbe: {  	s0 =	sadd.s32 $0x8F2B, s0  }
0xbf: {  	[sflag:s0] =	ssyncadd.remote.s32 $0x1  }
0xc0: {  	_ =	sfence.sel $0xFFFF  }
0xc1: {  	[dreg:$0x0] =	wrdreg $0xFFFFFFFF;
	(pc) =	sbr.abs _section_cstart, $3  }
0xc2: {  	[dreg:$0x1] =	wrdreg $0xFFFFFFFF  }
0xc3: {  	_ =	task.clear_ibuf [dreg:s7], $0x2FFFF;
	_ =	strace $0x9FFFFFFF  }
0xc4: {  	(tm) =	ssettm $0x7FFFFFFF  }
0xc5: {  	_ =	shalt  }
tec
execute0_lowered:
.L_overlay_start_1:
0x0: {  	(tag) =	ssettag $0x1  }
0x1: {  	s0 =	rddreg [dreg:$0x0]  }
0x2: {  	s4 =	rddreg [dreg:$0x1]  }
0x3: {  	s1 =	rddreg [dreg:$0x2]  }
0x4: {  	s2 =	rddreg [dreg:$0x3]  }
0x5: {  	s3 =	simm.s32 $0x0;
	s5 =	srdreg.scid;
	s17 =	stileid.u32  }
0x6: {  	s18 =	simm.s32 $0x80;
	s28 =	simm.s32 $0x2;
	s30 =	simm.s32 $0x5  }
0x7: {  	[smem:$0x7FF] =	sst s3;
	s6 =	sadd.s32 $0x10A00, s4;
	s8 =	sadd.s32 $0xBA00, s4  }
0x8: {  	s9 =	sand.u32 $0x1, s5;
	s10 =	sadd.s32 $0x6A00, s4;
	s12 =	smul.u32 $0x13880, s17  }
0x9: {  	s11 =	sadd.s32 $0x1A00, s4;
	s16 =	smul.u32 $0x28000, s17;
	s29 =	sshll.u32 s17, $0x6  }
0xa: {  	_ =	strace $0x80000047;
	s5 =	sshll.u32 s9, $0x5;
	s13 =	ssub.s32 $0x2, s9  }
0xb: {  	p0 =	seq.s32 s9, $0x0;
	s9 =	simm.s32 $0x4;
	s7 =	sor.u32 s17, s5  }
0xc: {  	s5 =	sadd.s32 $0x15A00, s4;
	s14 =	sshrl.u32 s13, $0x1;
	s15 =	sshrl.u32 s12, $0x1  }
0xd: {  	s26 =	sshrl.u32 s12, $0x4;
	s31 =	sshrl.u32 s16, $0x2;
	s16 =	smul.u32 $0x271, s17  }
0xe: {  	s10 =	smov.u32 @p0 s6;
	s11 =	smov.u32 @p0 s8;
	s17 =	simm.s32 $0x1400  }
0xf: {  	s6 =	simm.s32 $0x6;
	s8 =	simm.s32 $0x280;
	s12 =	simm.s32 $0x300  }
0x10: {  	s7 =	smul.u32 $0x1400, s7;
	s13 =	ssub.s32 s13, s14;
	s19 =	sadd.s32 s15, s1  }
0x11: {  	s0 =	sadd.s32 s0, s26;
	s15 =	sadd.s32 s31, s2;
	s23 =	sadd.s32 $0x2710, s10  }
0x12: {  	s25 =	sadd.s32 $0x2710, s11;
	s14 =	simm.s32 $0x9;
	[dreg:$0x5] =	wrdreg s0  }
0x13: {  	s21 =	smax.u32 s13, $0x1;
	s22 =	sadd.s32 s10, s16;
	s24 =	sadd.s32 s11, s16  }
0x14: {  	s26 =	sshrl.u32 s19, $0x3;
	s15 =	sshrl.u32 s15, $0x3;
	s19 =	simm.s32 $0x2800  }
0x15: {  	s31 =	sadd.s32 s16, s25;
	s0 =	simm.s32 $0x3;
	[dreg:$0x8] =	wrdreg s21  }
0x16: {  	s10 =	simm.s32 $0x1580;
	s11 =	simm.s32 $0x7;
	[dreg:$0x9] =	wrdreg s22  }
0x17: {  	s13 =	simm.s32 $0x8;
	s4 =	sadd.s32 s7, s4;
	[dreg:$0xa] =	wrdreg s24  }
.Ltmp0:
0x18: {  	s7 =	sor.u32 $0x1C09, s29;
	[dreg:$0xb] =	wrdreg s26;
	(pc) =	sbr.rel .LBB2_1-.Ltmp0, $4  }
0x19: {  	s29 =	sadd.s32 s16, s23;
	s22 =	simm.s32 $0x6800;
	[dreg:$0xd] =	wrdreg s31  }
0x1a: {  	s23 =	simm.s32 $0x1;
	s20 =	sadd.s32 $0x16E00, s4;
	[dreg:$0xc] =	wrdreg s29  }
0x1b: {  	s26 =	simm.s32 $0x8800;
	s4 =	sadd.s32 $0x2AE00, s4;
	[dreg:$0x6] =	wrdreg s20  }
0x1c: {  	v0 =	vimm.s32 $0x0;
	v1 =	vimm.s32 $0x2710;
	s21 =	simm.s32 $0x0;
	[dreg:$0x7] =	wrdreg s4;
	s20 =	simm.s32 $0x4800  }
.LBB2_7:
0x1d: {  	_ =	swait.ge [sflag:s30], $0x2000  }
0x1e: {  	[sflag:s30] =	ssyncset.done $0x0  }
0x1f: {  	[sflag:s30] =	ssyncadd.s32 $0xFFFFE000  }
0x20: {  	_ =	swait.ge [sflag:s6], $0x2000  }
0x21: {  	[sflag:s6] =	ssyncset.done $0x0  }
0x22: {  	[sflag:s6] =	ssyncadd.s32 $0xFFFFE000  }
0x23: {  	_ =	swait.ge [sflag:s11], $0x2000  }
0x24: {  	[sflag:s11] =	ssyncset.done $0x0  }
0x25: {  	[sflag:s11] =	ssyncadd.s32 $0xFFFFE000  }
0x26: {  	_ =	swait.ge [sflag:s13], $0x2000  }
0x27: {  	[sflag:s13] =	ssyncset.done $0x0  }
0x28: {  	[sflag:s13] =	ssyncadd.s32 $0xFFFFE000  }
0x29: {  	[bflag:$0x0] =	sbarrier.arrive $0xFFFF  }
0x2a: {  	s4 =	rddreg [dreg:$0x7]  }
0x2b: {  	[hbm:s4], [sflag:s7] =	dma.local [spmem:s15], $0x1400  }
0x2c: {  	_ =	swait.ge [sflag:s14], $0x1400  }
0x2d: {  	s21 =	sadd.s32 $0x1, s21;
	s31 =	rddreg [dreg:$0x8]  }
0x2e: {  	p0 =	sne.s32 s21, s31  }
.Ltmp1:
0x2f: {  	_ = 	snop;
	(pc) =	sbr.rel @!p0 .LBB2_8-.Ltmp1, $3  }
0x30: {  	_ =	sdelay $0x1  }
0x31: {  	[sflag:s14] =	ssyncset.done $0x0  }
0x32: {  	[sflag:s14] =	ssyncadd.s32 $0xFFFFEC00  }
.LBB2_1:
0x33: {  	s4 =	rddreg [dreg:$0x5]  }
0x34: {  	s16 =	rddreg [dreg:$0xb]  }
0x35: {  	[spmem:s16], [sflag:s7] =	dma.local [hbm:s4], $0x1388  }
0x36: {  	_ =	swait.ge [sflag:s14], $0x1388  }
0x37: {  	[sflag:s14] =	ssyncset.done $0x0  }
0x38: {  	[sflag:s14] =	ssyncadd.s32 $0xFFFFEC78  }
0x39: {  	[spmem:s15], [sflag:s7] =	dma.local [hbm:s5], $0x1400  }
0x3a: {  	_ =	swait.ge [sflag:s14], $0x1400  }
0x3b: {  	[sflag:s14] =	ssyncset.done $0x0  }
0x3c: {  	[sflag:s14] =	ssyncadd.s32 $0xFFFFEC00  }
0x3d: {  	[tilespmem:$0x1380] =	vst v0  }
0x3e: {  	[tilespmem:$0x2780] =	vst v1  }
0x3f: {  	[tilespmem:$0x1390] =	vst v0  }
0x40: {  	[tilespmem:$0x2790] =	vst v1  }
0x41: {  	[tilespmem:$0x13A0] =	vst v0  }
0x42: {  	[tilespmem:$0x27A0] =	vst v1  }
0x43: {  	[tilespmem:$0x13B0] =	vst v0  }
0x44: {  	[tilespmem:$0x27B0] =	vst v1  }
0x45: {  	[tilespmem:$0x13C0] =	vst v0  }
0x46: {  	[tilespmem:$0x27C0] =	vst v1  }
0x47: {  	[tilespmem:$0x13D0] =	vst v0  }
0x48: {  	[tilespmem:$0x27D0] =	vst v1  }
0x49: {  	[tilespmem:$0x13E0] =	vst v0  }
0x4a: {  	[tilespmem:$0x27E0] =	vst v1  }
0x4b: {  	[tilespmem:$0x13F0] =	vst v0  }
0x4c: {  	s29 =	rddreg [dreg:$0x9];
	[tilespmem:$0x27F0] =	vst v1  }
0x4d: {  	[tilespmem:s3], [sflag:$0x9] =	stream.linear.gather [hbm4b:s29+s3], $0x1388, $0x38;
	[tilespmem:$0x1E440] =	vst v63  }
0x4e: {  	_ =	swait.ge [sflag:s14], $0x1388  }
0x4f: {  	[sflag:s14] =	ssyncset.done $0x0  }
0x50: {  	s31 =	rddreg [dreg:$0xc];
	[sflag:s14] =	ssyncadd.s32 $0xFFFFEC78  }
0x51: {  	[tilespmem:s17], [sflag:$0x9] =	stream.linear.gather [hbm4b:s31+s3], $0x1388, $0x38;
	[tilespmem:$0x1E440] =	vst v63  }
0x52: {  	_ =	swait.ge [sflag:s14], $0x1388  }
0x53: {  	[sflag:s14] =	ssyncset.done $0x0  }
0x54: {  	[sflag:s14] =	ssyncadd.s32 $0xFFFFEC78  }
0x55: {  	[bflag:$0x0] =	sbarrier.arrive $0xFFFF  }
0x56: {  	[tilespmem:s19], [sflag:$0x1] =	stream.indirect.gather [spmem:s1], $0x40, s3, s18, $0xb8;
	[tilespmem:$0x1E440] =	vst v63  }
0x57: {  	_ = 	snop  }
0x58: {  	[tilespmem:s20], [sflag:$0x2] =	stream.indirect.gather [spmem:s1], $0x40, s18, s18, $0xb8;
	[tilespmem:$0x1E440] =	vst v63  }
0x59: {  	s16 =	simm.s32 $0x100  }
0x5a: {  	[tilespmem:s22], [sflag:$0x3] =	stream.indirect.gather [spmem:s1], $0x40, s16, s18, $0xb8;
	[tilespmem:$0x1E440] =	vst v63  }
0x5b: {  	_ =	swait.ge [sflag:s23], $0x2000  }
0x5c: {  	[sflag:s23] =	ssyncset.done $0x0  }
0x5d: {  	[sflag:s23] =	ssyncadd.s32 $0xFFFFE000  }
0x5e: {  	[spmem:s2] =	stream.indirect.scatter.add.bf16 [tilespmem:s19], [sflag:$0x5], $0x40, s17, s18, $0xb8;
	[tilespmem:$0x1E440] =	vst v63  }
0x5f: {  	s24 =	simm.s32 $0x180  }
0x60: {  	[tilespmem:s26], [sflag:$0x4] =	stream.indirect.gather [spmem:s1], $0x40, s24, s18, $0xb8;
	[tilespmem:$0x1E440] =	vst v63  }
0x61: {  	_ =	swait.ge [sflag:s28], $0x2000  }
0x62: {  	[sflag:s28] =	ssyncset.done $0x0  }
0x63: {  	s25 =	simm.s32 $0x1480;
	[sflag:s28] =	ssyncadd.s32 $0xFFFFE000  }
0x64: {  	[spmem:s2] =	stream.indirect.scatter.add.bf16 [tilespmem:s20], [sflag:$0x6], $0x40, s25, s18, $0xb8;
	[tilespmem:$0x1E440] =	vst v63  }
0x65: {  	_ =	swait.ge [sflag:s30], $0x2000  }
0x66: {  	[sflag:s30] =	ssyncset.done $0x0  }
0x67: {  	s29 =	simm.s32 $0x200;
	[sflag:s30] =	ssyncadd.s32 $0xFFFFE000  }
0x68: {  	[tilespmem:s19], [sflag:$0x1] =	stream.indirect.gather [spmem:s1], $0x40, s29, s18, $0xb8;
	[tilespmem:$0x1E440] =	vst v63  }
0x69: {  	_ =	swait.ge [sflag:s0], $0x2000  }
0x6a: {  	[sflag:s0] =	ssyncset.done $0x0  }
0x6b: {  	s31 =	simm.s32 $0x1500;
	[sflag:s0] =	ssyncadd.s32 $0xFFFFE000  }
0x6c: {  	[spmem:s2] =	stream.indirect.scatter.add.bf16 [tilespmem:s22], [sflag:$0x7], $0x40, s31, s18, $0xb8;
	[tilespmem:$0x1E440] =	vst v63  }
0x6d: {  	_ =	swait.ge [sflag:s6], $0x2000  }
0x6e: {  	[sflag:s6] =	ssyncset.done $0x0  }
0x6f: {  	[sflag:s6] =	ssyncadd.s32 $0xFFFFE000  }
0x70: {  	[tilespmem:s20], [sflag:$0x2] =	stream.indirect.gather [spmem:s1], $0x40, s8, s18, $0xb8;
	[tilespmem:$0x1E440] =	vst v63  }
0x71: {  	_ =	swait.ge [sflag:s9], $0x2000  }
0x72: {  	[sflag:s9] =	ssyncset.done $0x0  }
0x73: {  	[sflag:s9] =	ssyncadd.s32 $0xFFFFE000  }
0x74: {  	[spmem:s2] =	stream.indirect.scatter.add.bf16 [tilespmem:s26], [sflag:$0x8], $0x40, s10, s18, $0xb8;
	[tilespmem:$0x1E440] =	vst v63  }
0x75: {  	_ =	swait.ge [sflag:s11], $0x2000  }
0x76: {  	[sflag:s11] =	ssyncset.done $0x0  }
0x77: {  	s16 =	simm.s32 $0x0;
	[sflag:s11] =	ssyncadd.s32 $0xFFFFE000  }
0x78: {  	[tilespmem:s22], [sflag:$0x3] =	stream.indirect.gather [spmem:s1], $0x40, s12, s18, $0xb8;
	[tilespmem:$0x1E440] =	vst v63  }
.LBB2_2:
0x79: {  	_ =	swait.ge [sflag:s23], $0x2000  }
0x7a: {  	s25 =	sshra.s32 s16, $0x2;
	[sflag:s23] =	ssyncset.done $0x0  }
0x7b: {  	s29 =	sadd.s32 $0x1600, s25;
	[sflag:s23] =	ssyncadd.s32 $0xFFFFE000  }
0x7c: {  	[spmem:s2] =	stream.indirect.scatter.add.bf16 [tilespmem:s19], [sflag:$0x5], $0x40, s29, s18, $0xb8;
	[tilespmem:$0x1E440] =	vst v63  }
0x7d: {  	_ =	swait.ge [sflag:s13], $0x2000  }
0x7e: {  	[sflag:s13] =	ssyncset.done $0x0  }
0x7f: {  	s4 =	sadd.s32 $0x380, s25;
	[sflag:s13] =	ssyncadd.s32 $0xFFFFE000  }
0x80: {  	[tilespmem:s26], [sflag:$0x4] =	stream.indirect.gather [spmem:s1], $0x40, s4, s18, $0xb8;
	[tilespmem:$0x1E440] =	vst v63  }
0x81: {  	_ =	swait.ge [sflag:s28], $0x2000  }
0x82: {  	p0 =	seq.s32 s16, $0x4000;
	[sflag:s28] =	ssyncset.done $0x0  }
0x83: {  	s24 =	sadd.s32 $0x1680, s25;
	s29 =	simm.s32 @p0 $0x3;
	[sflag:s28] =	ssyncadd.s32 $0xFFFFE000  }
0x84: {  	[spmem:s2] =	stream.indirect.scatter.add.bf16 [tilespmem:s20], [sflag:$0x6], $0x40, s24, s18, $0xb8;
	[tilespmem:$0x1E440] =	vst v63  }
0x85: {  	_ =	swait.ge @p0 [sflag:s29], $0x2000  }
0x86: {  	[sflag:s29] =	ssyncset.done @p0 $0x0  }
0x87: {  	[sflag:s29] =	ssyncadd.s32 @p0 $0xFFFFE000;
	s29 =	sshra.s32 @p0 s16, $0x2  }
0x88: {  	s31 =	simm.s32 @p0 $0x6800;
	s24 =	simm.s32 @p0 $0x80;
	s29 =	sadd.s32 @p0 $0x1700, s29  }
0x89: {  	[spmem:s2] =	stream.indirect.scatter.add.bf16 @p0 [tilespmem:s31], [sflag:$0x7], $0x40, s29, s24, $0xb8;
	[tilespmem:$0x1E440] =	vst v63  }
0x8a: {  	s24 =	simm.s32 @!p0 $0x5  }
0x8b: {  	_ =	swait.ge @!p0 [sflag:s24], $0x2000  }
0x8c: {  	[sflag:s24] =	ssyncset.done @!p0 $0x0  }
0x8d: {  	[sflag:s24] =	ssyncadd.s32 @!p0 $0xFFFFE000;
	s24 =	sshra.s32 @!p0 s16, $0x2  }
0x8e: {  	s4 =	simm.s32 @!p0 $0x2800;
	s31 =	simm.s32 @!p0 $0x80;
	s29 =	sadd.s32 @!p0 $0x400, s24  }
0x8f: {  	[tilespmem:s4], [sflag:$0x1] =	stream.indirect.gather @!p0 [spmem:s1], $0x40, s29, s31, $0xb8;
	[tilespmem:$0x1E440] =	vst v63  }
0x90: {  	s4 =	simm.s32 @!p0 $0x3  }
0x91: {  	_ =	swait.ge @!p0 [sflag:s4], $0x2000  }
0x92: {  	[sflag:s4] =	ssyncset.done @!p0 $0x0  }
0x93: {  	s29 =	simm.s32 @!p0 $0x6800;
	[sflag:s4] =	ssyncadd.s32 @!p0 $0xFFFFE000;
	s4 =	sadd.s32 @!p0 $0x1700, s24  }
0x94: {  	[spmem:s2] =	stream.indirect.scatter.add.bf16 @!p0 [tilespmem:s29], [sflag:$0x7], $0x40, s4, s31, $0xb8;
	[tilespmem:$0x1E440] =	vst v63  }
0x95: {  	s4 =	simm.s32 @!p0 $0x6  }
0x96: {  	_ =	swait.ge @!p0 [sflag:s4], $0x2000  }
0x97: {  	[sflag:s4] =	ssyncset.done @!p0 $0x0  }
0x98: {  	[sflag:s4] =	ssyncadd.s32 @!p0 $0xFFFFE000;
	s4 =	sadd.s32 @!p0 $0x480, s24;
	s24 =	simm.s32 @!p0 $0x4800  }
0x99: {  	[tilespmem:s24], [sflag:$0x2] =	stream.indirect.gather @!p0 [spmem:s1], $0x40, s4, s31, $0xb8;
	[tilespmem:$0x1E440] =	vst v63  }
.Ltmp2:
0x9a: {  	_ = 	snop;
	(pc) =	sbr.rel @p0 .LBB2_4-.Ltmp2, $4  }
0x9b: {  	_ =	swait.ge [sflag:s9], $0x2000  }
0x9c: {  	[sflag:s9] =	ssyncset.done $0x0  }
0x9d: {  	s31 =	sadd.s32 $0x1780, s25;
	[sflag:s9] =	ssyncadd.s32 $0xFFFFE000  }
0x9e: {  	[spmem:s2] =	stream.indirect.scatter.add.bf16 [tilespmem:s26], [sflag:$0x8], $0x40, s31, s18, $0xb8;
	[tilespmem:$0x1E440] =	vst v63  }
.Ltmp3:
0x9f: {  	(pc) =	sbr.rel .LBB2_2-.Ltmp3, $4  }
0xa0: {  	_ =	swait.ge [sflag:s11], $0x2000  }
0xa1: {  	[sflag:s11] =	ssyncset.done $0x0  }
0xa2: {  	s4 =	sadd.s32 $0x500, s25;
	s16 =	sadd.s32 $0x800, s16;
	[sflag:s11] =	ssyncadd.s32 $0xFFFFE000  }
0xa3: {  	[tilespmem:s22], [sflag:$0x3] =	stream.indirect.gather [spmem:s1], $0x40, s4, s18, $0xb8;
	[tilespmem:$0x1E440] =	vst v63  }
.LBB2_4:
0xa4: {  	_ =	swait.ge [sflag:s30], $0x2000  }
0xa5: {  	[sflag:s30] =	ssyncset.done $0x0  }
0xa6: {  	[sflag:s30] =	ssyncadd.s32 $0xFFFFE000  }
0xa7: {  	_ =	swait.ge [sflag:s6], $0x2000  }
0xa8: {  	[sflag:s6] =	ssyncset.done $0x0  }
0xa9: {  	[sflag:s6] =	ssyncadd.s32 $0xFFFFE000  }
0xaa: {  	_ =	swait.ge [sflag:s11], $0x2000  }
0xab: {  	[sflag:s11] =	ssyncset.done $0x0  }
0xac: {  	[sflag:s11] =	ssyncadd.s32 $0xFFFFE000  }
0xad: {  	_ =	swait.ge [sflag:s13], $0x2000  }
0xae: {  	[sflag:s13] =	ssyncset.done $0x0  }
0xaf: {  	[sflag:s13] =	ssyncadd.s32 $0xFFFFE000  }
0xb0: {  	[bflag:$0x0] =	sbarrier.arrive $0xFFFF  }
0xb1: {  	s4 =	rddreg [dreg:$0x6]  }
0xb2: {  	[hbm:s4], [sflag:s7] =	dma.local [spmem:s15], $0x1400  }
0xb3: {  	_ =	swait.ge [sflag:s14], $0x1400  }
0xb4: {  	[sflag:s14] =	ssyncset.done $0x0  }
0xb5: {  	[sflag:s14] =	ssyncadd.s32 $0xFFFFEC00  }
0xb6: {  	[spmem:s15], [sflag:s7] =	dma.local [hbm:s5], $0x1400  }
0xb7: {  	_ =	swait.ge [sflag:s14], $0x1400  }
0xb8: {  	[sflag:s14] =	ssyncset.done $0x0  }
0xb9: {  	[sflag:s14] =	ssyncadd.s32 $0xFFFFEC00  }
0xba: {  	[tilespmem:$0x1380] =	vst v0  }
0xbb: {  	[tilespmem:$0x2780] =	vst v1  }
0xbc: {  	[tilespmem:$0x1390] =	vst v0  }
0xbd: {  	[tilespmem:$0x2790] =	vst v1  }
0xbe: {  	[tilespmem:$0x13A0] =	vst v0  }
0xbf: {  	[tilespmem:$0x27A0] =	vst v1  }
0xc0: {  	[tilespmem:$0x13B0] =	vst v0  }
0xc1: {  	[tilespmem:$0x27B0] =	vst v1  }
0xc2: {  	[tilespmem:$0x13C0] =	vst v0  }
0xc3: {  	[tilespmem:$0x27C0] =	vst v1  }
0xc4: {  	[tilespmem:$0x13D0] =	vst v0  }
0xc5: {  	[tilespmem:$0x27D0] =	vst v1  }
0xc6: {  	[tilespmem:$0x13E0] =	vst v0  }
0xc7: {  	[tilespmem:$0x27E0] =	vst v1  }
0xc8: {  	[tilespmem:$0x13F0] =	vst v0  }
0xc9: {  	s16 =	simm.s32 $0x0;
	s25 =	rddreg [dreg:$0xa];
	[tilespmem:$0x27F0] =	vst v1  }
0xca: {  	[tilespmem:s16], [sflag:$0x9] =	stream.linear.gather [hbm4b:s25+s16], $0x1388, $0x38;
	[tilespmem:$0x1E440] =	vst v63  }
0xcb: {  	_ =	swait.ge [sflag:s14], $0x1388  }
0xcc: {  	[sflag:s14] =	ssyncset.done $0x0  }
0xcd: {  	s29 =	rddreg [dreg:$0xd];
	[sflag:s14] =	ssyncadd.s32 $0xFFFFEC78  }
0xce: {  	[tilespmem:s17], [sflag:$0x9] =	stream.linear.gather [hbm4b:s29+s16], $0x1388, $0x38;
	[tilespmem:$0x1E440] =	vst v63  }
0xcf: {  	_ =	swait.ge [sflag:s14], $0x1388  }
0xd0: {  	[sflag:s14] =	ssyncset.done $0x0  }
0xd1: {  	[sflag:s14] =	ssyncadd.s32 $0xFFFFEC78  }
0xd2: {  	[bflag:$0x0] =	sbarrier.arrive $0xFFFF  }
0xd3: {  	[tilespmem:s19], [sflag:$0x1] =	stream.indirect.gather [spmem:s1], $0x40, s16, s18, $0xb8;
	[tilespmem:$0x1E440] =	vst v63  }
0xd4: {  	_ = 	snop  }
0xd5: {  	[tilespmem:s20], [sflag:$0x2] =	stream.indirect.gather [spmem:s1], $0x40, s18, s18, $0xb8;
	[tilespmem:$0x1E440] =	vst v63  }
0xd6: {  	s31 =	simm.s32 $0x100  }
0xd7: {  	[tilespmem:s22], [sflag:$0x3] =	stream.indirect.gather [spmem:s1], $0x40, s31, s18, $0xb8;
	[tilespmem:$0x1E440] =	vst v63  }
0xd8: {  	_ =	swait.ge [sflag:s23], $0x2000  }
0xd9: {  	[sflag:s23] =	ssyncset.done $0x0  }
0xda: {  	[sflag:s23] =	ssyncadd.s32 $0xFFFFE000  }
0xdb: {  	[spmem:s2] =	stream.indirect.scatter.add.bf16 [tilespmem:s19], [sflag:$0x5], $0x40, s17, s18, $0xb8;
	[tilespmem:$0x1E440] =	vst v63  }
0xdc: {  	s24 =	simm.s32 $0x180  }
0xdd: {  	[tilespmem:s26], [sflag:$0x4] =	stream.indirect.gather [spmem:s1], $0x40, s24, s18, $0xb8;
	[tilespmem:$0x1E440] =	vst v63  }
0xde: {  	_ =	swait.ge [sflag:s28], $0x2000  }
0xdf: {  	[sflag:s28] =	ssyncset.done $0x0  }
0xe0: {  	s25 =	simm.s32 $0x1480;
	[sflag:s28] =	ssyncadd.s32 $0xFFFFE000  }
0xe1: {  	[spmem:s2] =	stream.indirect.scatter.add.bf16 [tilespmem:s20], [sflag:$0x6], $0x40, s25, s18, $0xb8;
	[tilespmem:$0x1E440] =	vst v63  }
0xe2: {  	_ =	swait.ge [sflag:s30], $0x2000  }
0xe3: {  	[sflag:s30] =	ssyncset.done $0x0  }
0xe4: {  	s29 =	simm.s32 $0x200;
	[sflag:s30] =	ssyncadd.s32 $0xFFFFE000  }
0xe5: {  	[tilespmem:s19], [sflag:$0x1] =	stream.indirect.gather [spmem:s1], $0x40, s29, s18, $0xb8;
	[tilespmem:$0x1E440] =	vst v63  }
0xe6: {  	_ =	swait.ge [sflag:s0], $0x2000  }
0xe7: {  	[sflag:s0] =	ssyncset.done $0x0  }
0xe8: {  	s31 =	simm.s32 $0x1500;
	[sflag:s0] =	ssyncadd.s32 $0xFFFFE000  }
0xe9: {  	[spmem:s2] =	stream.indirect.scatter.add.bf16 [tilespmem:s22], [sflag:$0x7], $0x40, s31, s18, $0xb8;
	[tilespmem:$0x1E440] =	vst v63  }
0xea: {  	_ =	swait.ge [sflag:s6], $0x2000  }
0xeb: {  	[sflag:s6] =	ssyncset.done $0x0  }
0xec: {  	[sflag:s6] =	ssyncadd.s32 $0xFFFFE000  }
0xed: {  	[tilespmem:s20], [sflag:$0x2] =	stream.indirect.gather [spmem:s1], $0x40, s8, s18, $0xb8;
	[tilespmem:$0x1E440] =	vst v63  }
0xee: {  	_ =	swait.ge [sflag:s9], $0x2000  }
0xef: {  	[sflag:s9] =	ssyncset.done $0x0  }
0xf0: {  	[sflag:s9] =	ssyncadd.s32 $0xFFFFE000  }
0xf1: {  	[spmem:s2] =	stream.indirect.scatter.add.bf16 [tilespmem:s26], [sflag:$0x8], $0x40, s10, s18, $0xb8;
	[tilespmem:$0x1E440] =	vst v63  }
0xf2: {  	_ =	swait.ge [sflag:s11], $0x2000  }
0xf3: {  	[sflag:s11] =	ssyncset.done $0x0  }
0xf4: {  	[sflag:s11] =	ssyncadd.s32 $0xFFFFE000  }
0xf5: {  	[tilespmem:s22], [sflag:$0x3] =	stream.indirect.gather [spmem:s1], $0x40, s12, s18, $0xb8;
	[tilespmem:$0x1E440] =	vst v63  }
.LBB2_5:
0xf6: {  	_ =	swait.ge [sflag:s23], $0x2000  }
0xf7: {  	s25 =	sshra.s32 s16, $0x2;
	[sflag:s23] =	ssyncset.done $0x0  }
0xf8: {  	s4 =	sadd.s32 $0x1600, s25;
	[sflag:s23] =	ssyncadd.s32 $0xFFFFE000  }
0xf9: {  	[spmem:s2] =	stream.indirect.scatter.add.bf16 [tilespmem:s19], [sflag:$0x5], $0x40, s4, s18, $0xb8;
	[tilespmem:$0x1E440] =	vst v63  }
0xfa: {  	_ =	swait.ge [sflag:s13], $0x2000  }
0xfb: {  	[sflag:s13] =	ssyncset.done $0x0  }
0xfc: {  	s24 =	sadd.s32 $0x380, s25;
	[sflag:s13] =	ssyncadd.s32 $0xFFFFE000  }
0xfd: {  	[tilespmem:s26], [sflag:$0x4] =	stream.indirect.gather [spmem:s1], $0x40, s24, s18, $0xb8;
	[tilespmem:$0x1E440] =	vst v63  }
0xfe: {  	_ =	swait.ge [sflag:s28], $0x2000  }
0xff: {  	p0 =	seq.s32 s16, $0x4000;
	[sflag:s28] =	ssyncset.done $0x0  }
0x100: {  	s29 =	sadd.s32 $0x1680, s25;
	s4 =	simm.s32 @p0 $0x3;
	[sflag:s28] =	ssyncadd.s32 $0xFFFFE000  }
0x101: {  	[spmem:s2] =	stream.indirect.scatter.add.bf16 [tilespmem:s20], [sflag:$0x6], $0x40, s29, s18, $0xb8;
	[tilespmem:$0x1E440] =	vst v63  }
0x102: {  	_ =	swait.ge @p0 [sflag:s4], $0x2000  }
0x103: {  	[sflag:s4] =	ssyncset.done @p0 $0x0  }
0x104: {  	[sflag:s4] =	ssyncadd.s32 @p0 $0xFFFFE000;
	s4 =	sshra.s32 @p0 s16, $0x2  }
0x105: {  	s24 =	simm.s32 @p0 $0x80;
	s29 =	simm.s32 @p0 $0x6800;
	s4 =	sadd.s32 @p0 $0x1700, s4  }
0x106: {  	[spmem:s2] =	stream.indirect.scatter.add.bf16 @p0 [tilespmem:s29], [sflag:$0x7], $0x40, s4, s24, $0xb8;
	[tilespmem:$0x1E440] =	vst v63  }
0x107: {  	s4 =	simm.s32 @!p0 $0x5  }
0x108: {  	_ =	swait.ge @!p0 [sflag:s4], $0x2000  }
0x109: {  	[sflag:s4] =	ssyncset.done @!p0 $0x0  }
0x10a: {  	[sflag:s4] =	ssyncadd.s32 @!p0 $0xFFFFE000;
	s4 =	sshra.s32 @!p0 s16, $0x2  }
0x10b: {  	s31 =	simm.s32 @!p0 $0x2800;
	s29 =	simm.s32 @!p0 $0x80;
	s24 =	sadd.s32 @!p0 $0x400, s4  }
0x10c: {  	[tilespmem:s31], [sflag:$0x1] =	stream.indirect.gather @!p0 [spmem:s1], $0x40, s24, s29, $0xb8;
	[tilespmem:$0x1E440] =	vst v63  }
0x10d: {  	s24 =	simm.s32 @!p0 $0x3  }
0x10e: {  	_ =	swait.ge @!p0 [sflag:s24], $0x2000  }
0x10f: {  	[sflag:s24] =	ssyncset.done @!p0 $0x0  }
0x110: {  	s31 =	simm.s32 @!p0 $0x6800;
	[sflag:s24] =	ssyncadd.s32 @!p0 $0xFFFFE000;
	s24 =	sadd.s32 @!p0 $0x1700, s4  }
0x111: {  	[spmem:s2] =	stream.indirect.scatter.add.bf16 @!p0 [tilespmem:s31], [sflag:$0x7], $0x40, s24, s29, $0xb8;
	[tilespmem:$0x1E440] =	vst v63  }
0x112: {  	s24 =	simm.s32 @!p0 $0x6  }
0x113: {  	_ =	swait.ge @!p0 [sflag:s24], $0x2000  }
0x114: {  	[sflag:s24] =	ssyncset.done @!p0 $0x0  }
0x115: {  	s4 =	sadd.s32 @!p0 $0x480, s4;
	[sflag:s24] =	ssyncadd.s32 @!p0 $0xFFFFE000;
	s24 =	simm.s32 @!p0 $0x4800  }
0x116: {  	[tilespmem:s24], [sflag:$0x2] =	stream.indirect.gather @!p0 [spmem:s1], $0x40, s4, s29, $0xb8;
	[tilespmem:$0x1E440] =	vst v63  }
.Ltmp4:
0x117: {  	_ = 	snop;
	(pc) =	sbr.rel @p0 .LBB2_7-.Ltmp4, $4  }
0x118: {  	_ =	swait.ge [sflag:s9], $0x2000  }
0x119: {  	[sflag:s9] =	ssyncset.done $0x0  }
0x11a: {  	s31 =	sadd.s32 $0x1780, s25;
	[sflag:s9] =	ssyncadd.s32 $0xFFFFE000  }
0x11b: {  	[spmem:s2] =	stream.indirect.scatter.add.bf16 [tilespmem:s26], [sflag:$0x8], $0x40, s31, s18, $0xb8;
	[tilespmem:$0x1E440] =	vst v63  }
.Ltmp5:
0x11c: {  	(pc) =	sbr.rel .LBB2_5-.Ltmp5, $4  }
0x11d: {  	_ =	swait.ge [sflag:s11], $0x2000  }
0x11e: {  	[sflag:s11] =	ssyncset.done $0x0  }
0x11f: {  	s4 =	sadd.s32 $0x500, s25;
	s16 =	sadd.s32 $0x800, s16;
	[sflag:s11] =	ssyncadd.s32 $0xFFFFE000  }
0x120: {  	[tilespmem:s22], [sflag:$0x3] =	stream.indirect.gather [spmem:s1], $0x40, s4, s18, $0xb8;
	[tilespmem:$0x1E440] =	vst v63  }
.LBB2_8:
0x121: {  	_ =	sfence.sel $0x180000  }
0x122: {  	[bflag:$0x0] =	sbarrier.arrive $0xFFFF  }
0x123: {  	_ =	strace $0x90000047  }
0x124: {  	s0 =	stileid.u32;
	[bflag:$0x2] =	sbarrier.arrive $0xFFFF  }
0x125: {  	p0 =	sne.s32 s0, $0x0;
	s0 =	rddreg [dreg:$0x4]  }
0x126: {  	s0 =	sadd.s32 @!p0 $0x100000, s0  }
0x127: {  	[sflag:s0] =	ssyncadd.tile.s32 @!p0 $0x1;
	_ =	shalt  }
.Lfunc_end2:
_tile_overlayer_lowered:
.L_overlay_start_2:
0x128: {  	(tag) =	ssettag $0x2  }
0x129: {  	s0 =	rddreg [dreg:$0x0];
	s2 =	stileid.u32  }
0x12a: {  	s1 =	rddreg [dreg:$0x1];
	p0 =	sne.s32 s2, $0x0  }
0x12b: {  	s3 =	rddreg [dreg:$0x2];
	[bflag:$0x3] =	sbarrier.arrive $0xFFFF;
	s2 =	simm.s32 @!p0 $0x1C09  }
0x12c: {  	[timem:s3], [sflag:s2] =	dma.local @!p0 [hbm:s0], s1  }
0x12d: {  	s0 =	simm.s32 @!p0 $0x9  }
0x12e: {  	_ =	swait.ge @!p0 [sflag:s0], s1  }
0x12f: {  	s1 =	ssub.s32 @!p0 $0x0, s1;
	[sflag:s0] =	ssyncset.done @!p0 $0x0  }
0x130: {  	[sflag:s0] =	ssyncadd.s32 @!p0 s1  }
0x131: {  	[bflag:$0x3] =	sbarrier.arrive $0xFFFF  }
0x132: {  	_ =	shalt  }

</sc_bundles>
